<compile_context>
chip_gen: v7x
topology: tpu7x:2x2x1
jax: 0.10.2.dev20260603
libtpu: 0.0.44.dev20260713+nightly
codegen_flags: <defaults>
</compile_context>

<pallas_src>
import functools

import jax
import jax.numpy as jnp
from jax import lax
from jax.experimental import pallas as pl
from jax.experimental.pallas import tpu as pltpu
from jax.experimental.pallas import tpu_sc as plsc

N = 50000
F_IN = 128
D = 64
T = 1000
H = 2

BN = 1000
NSTEP = N // BN
NBUF = 4
TP = 1024
CHUNKS = ((0, 896), (896, 104))

_SC_B = 1024


def _sc_gather(emb_table, ids_pad):
    mesh = plsc.VectorSubcoreMesh(core_axis_name="c", subcore_axis_name="s")
    info = plsc.get_sparse_core_info()
    nc, ns = info.num_cores, info.num_subcores
    nw = nc * ns
    b_per_w = _SC_B // nw

    @functools.partial(
        pl.kernel, mesh=mesh,
        out_type=jax.ShapeDtypeStruct((_SC_B, 128), jnp.float32),
        scratch_types=[
            pltpu.VMEM((b_per_w,), jnp.int32),
            pltpu.VMEM((b_per_w, 128), jnp.float32),
            pltpu.SemaphoreType.DMA,
        ],
    )
    def k(table_hbm, idx_hbm, out_hbm, idx_v, rows_v, sem):
        wid = lax.axis_index("s") * nc + lax.axis_index("c")
        base = wid * b_per_w
        pltpu.sync_copy(idx_hbm.at[pl.ds(base, b_per_w)], idx_v)
        pltpu.async_copy(table_hbm.at[idx_v], rows_v, sem).wait()
        pltpu.sync_copy(rows_v, out_hbm.at[pl.ds(base, b_per_w)])

    return k(jnp.pad(emb_table, ((0, 0), (0, 128 - D))), ids_pad)


def _leaky_relu(x, slope=0.2):
    return jnp.where(x > 0, x, slope * x)


def _gat_kernel(te_ref, adj_ref, w0_ref, as0_ref, ad0_ref,
                w1_ref, as1_ref, ad1_ref, h_out_ref):
    adj = adj_ref[...]
    te = te_ref[...][:T, :D]

    def layer(h_in, w_ref, asrc_ref, adst_ref):
        acc = jnp.zeros((T, D), dtype=jnp.float32)
        for head in range(H):
            hh = h_in * w_ref[head, :][None, :]
            f_src = jnp.sum(hh * asrc_ref[head, :][None, :], axis=1,
                            keepdims=True)
            f_dst = jnp.sum(hh * adst_ref[head, :][None, :], axis=1,
                            keepdims=True)
            e = f_src + f_dst.T
            e = _leaky_relu(e)
            e = jnp.where(adj > 0, e, jnp.float32(-1e9))
            m = jnp.max(e, axis=1, keepdims=True)
            p = jnp.exp(e - m)
            s = jnp.sum(p, axis=1, keepdims=True)
            a = p / s
            acc = acc + jax.lax.dot_general(
                a, hh, (((1,), (0,)), ((), ())),
                preferred_element_type=jnp.float32)
        return acc * jnp.float32(1.0 / H)

    h = layer(te, w0_ref, as0_ref, ad0_ref)
    h = jnp.where(h > 0, h, jnp.exp(h) - 1.0)
    h = layer(h, w1_ref, as1_ref, ad1_ref)
    h_out_ref[...] = h


def _fused_kernel(x_ref, w1_ref, b1_ref, hp_ref, out_ref, *rest):
    accs = rest[:len(CHUNKS)]
    sems = rest[len(CHUNKS)]
    i = pl.program_id(0)
    s = jax.lax.rem(i, NBUF)
    rows = pl.ds(i * BN, BN)

    @pl.when(i >= NBUF)
    def _():
        for k, (c0, w) in enumerate(CHUNKS):
            pltpu.make_async_copy(accs[k].at[s], out_ref.at[rows, pl.ds(c0, w)],
                                  sems.at[k, s]).wait()

    ent = jax.lax.dot_general(x_ref[...], w1_ref[...],
                              (((1,), (1,)), ((), ())),
                              preferred_element_type=jnp.float32)
    ent = jnp.maximum(ent + b1_ref[...], 0.0)
    logits = jax.lax.dot_general(ent, hp_ref[...],
                                 (((1,), (1,)), ((), ())),
                                 preferred_element_type=jnp.float32)
    for k, (c0, w) in enumerate(CHUNKS):
        accs[k][s] = logits[:, c0:c0 + w]

    for k, (c0, w) in enumerate(CHUNKS):
        pltpu.make_async_copy(accs[k].at[s], out_ref.at[rows, pl.ds(c0, w)],
                              sems.at[k, s]).start()

    @pl.when(i == NSTEP - 1)
    def _():
        for k, (c0, w) in enumerate(CHUNKS):
            for b in range(NBUF):
                pltpu.make_async_copy(accs[k].at[b],
                                      out_ref.at[rows, pl.ds(c0, w)],
                                      sems.at[k, b]).wait()


def _gat(te_pad, type_adj, gw0, ga_src0, ga_dst0, gw1, ga_src1, ga_dst1):
    args = (te_pad, type_adj,
            gw0.reshape(H, D), ga_src0.reshape(H, D), ga_dst0.reshape(H, D),
            gw1.reshape(H, D), ga_src1.reshape(H, D), ga_dst1.reshape(H, D))
    return pl.pallas_call(
        _gat_kernel,
        out_shape=jax.ShapeDtypeStruct((T, D), jnp.float32),
    )(*args)


def _fused(x, W1, b1, h):
    hp = jnp.pad(h, ((0, TP - T), (0, 0)))
    return pl.pallas_call(
        _fused_kernel,
        grid=(NSTEP,),
        in_specs=[
            pl.BlockSpec((BN, F_IN), lambda i: (i, 0)),
            pl.BlockSpec((D, F_IN), lambda i: (0, 0)),
            pl.BlockSpec((1, D), lambda i: (0, 0)),
            pl.BlockSpec((TP, D), lambda i: (0, 0)),
        ],
        out_specs=pl.BlockSpec(memory_space=pltpu.HBM),
        out_shape=jax.ShapeDtypeStruct((N, T), jnp.float32),
        scratch_shapes=(
            [pltpu.VMEM((NBUF, BN, w), jnp.float32) for _, w in CHUNKS]
            + [pltpu.SemaphoreType.DMA((len(CHUNKS), NBUF))]
        ),
        compiler_params=pltpu.CompilerParams(
            dimension_semantics=("arbitrary",),
        ),
    )(x, W1, b1.reshape(1, D), hp)


@jax.jit
def kernel(x, type_ids, type_adj, W1, b1, emb_table, gw0, ga_src0, ga_dst0,
           gw1, ga_src1, ga_dst1):
    ids_pad = jnp.pad(type_ids, (0, _SC_B - T))
    te_pad = _sc_gather(emb_table, ids_pad)
    h = _gat(te_pad, type_adj, gw0, ga_src0, ga_dst0, gw1, ga_src1, ga_dst1)
    return _fused(x, W1, b1, h)

# --- scband reference (transcript-rebuilt; emitter-appended) ---
"""Pipeline reference for scband-figat-84018150244459 (READ-ONLY COPY).

The authoritative reference and input builder live on the scoring server;
editing this copy changes nothing except your own understanding.
"""

import jax, jax.numpy as jnp
import numpy as np

N = 50000
F_IN = 128
D = 64
T = 1000
H = 2


def setup_inputs(seed: int = 0) -> dict:
    key = jax.random.key(seed)
    ks = jax.random.split(key, 10)
    x = jax.random.normal(ks[0], (N, F_IN), dtype=jnp.float32)
    type_ids = jnp.arange(T, dtype=jnp.int32)
    u = jax.random.uniform(ks[1], (T, T), dtype=jnp.float32)
    adj = (u < 0.01).astype(jnp.float32)
    type_adj = jnp.maximum(adj, jnp.eye(T, dtype=jnp.float32))
    W1 = jax.random.normal(ks[2], (D, F_IN), dtype=jnp.float32) * (1.0 / np.sqrt(F_IN))
    b1 = jnp.zeros((D,), dtype=jnp.float32)
    emb_table = jax.random.normal(ks[3], (T, D), dtype=jnp.float32) * 0.1
    gw0 = jax.random.normal(ks[4], (H, 1, D), dtype=jnp.float32) * 0.1
    ga_src0 = jax.random.normal(ks[5], (H, D, 1), dtype=jnp.float32) * 0.1
    ga_dst0 = jax.random.normal(ks[6], (H, D, 1), dtype=jnp.float32) * 0.1
    gw1 = jax.random.normal(ks[7], (H, 1, D), dtype=jnp.float32) * 0.1
    ga_src1 = jax.random.normal(ks[8], (H, D, 1), dtype=jnp.float32) * 0.1
    ga_dst1 = jax.random.normal(ks[9], (H, D, 1), dtype=jnp.float32) * 0.1
    return {"x": x, "type_ids": type_ids, "type_adj": type_adj, "W1": W1, "b1": b1,
            "emb_table": emb_table, "gw0": gw0, "ga_src0": ga_src0, "ga_dst0": ga_dst0,
            "gw1": gw1, "ga_src1": ga_src1, "ga_dst1": ga_dst1}


def _gat_layer(h_in, adj, w, a_src, a_dst):
    # diag multi-head graph attention: w is [H,1,D] elementwise (diag) weight
    h = h_in[None, :, :] * w                       # [H, T, D]
    f_src = jnp.squeeze(jnp.matmul(h, a_src), -1)  # [H, T]
    f_dst = jnp.squeeze(jnp.matmul(h, a_dst), -1)  # [H, T]
    e = f_src[:, :, None] + f_dst[:, None, :]      # [H, T, T]
    e = jax.nn.leaky_relu(e, negative_slope=0.2)
    e = jnp.where(adj[None, :, :] > 0, e, jnp.float32(-1e9))
    a = jax.nn.softmax(e, axis=-1)                 # attn_dropout=0.0 (eval)
    out = jnp.matmul(a, h)                         # [H, T, D]
    return jnp.mean(out, axis=0)                   # diag=True -> mean over heads


def reference(x, type_ids, type_adj, W1, b1, emb_table, gw0, ga_src0, ga_dst0, gw1, ga_src1, ga_dst1):
    # ent_output = relu(linear1(x))
    ent = jax.nn.relu(jnp.matmul(x, W1.T) + b1)    # [N, D]
    # type_emb = embedding(type_ids)
    te = jnp.take(emb_table, type_ids, axis=0)     # [T, D]
    # GAT over type graph (2 layers, diag, dropout=0)
    h = _gat_layer(te, type_adj, gw0, ga_src0, ga_dst0)
    h = jax.nn.elu(h)
    h = _gat_layer(h, type_adj, gw1, ga_src1, ga_dst1)
    # output = ent_output.mm(attention_enhanced_type_emb.T)
    return jnp.matmul(ent, h.T)                    # [N, T]

if __name__ == "__main__":
    import jax
    _d = setup_inputs()
    print(jax.jit(kernel)(*tuple(_d.values())))

</pallas_src>

<mosaic_0001>
#map = affine_map<(d0, d1) -> (0, 0)>
#map1 = affine_map<(d0, d1) -> (0)>
module attributes {stable_mosaic.version = 14 : i64} {
  func.func @k(%arg0: i32, %arg1: i32, %arg2: memref<1000x128xf32, #tpu.memory_space<hbm>>, %arg3: memref<1024xi32, #tpu.memory_space<hbm>>, %arg4: memref<1024x128xf32, #tpu.memory_space<hbm>>, %arg5: memref<32xi32, #tpu.memory_space<vmem>>, %arg6: memref<32x128xf32, #tpu.memory_space<vmem>>, %arg7: memref<!tpu.dma_semaphore, #tpu.memory_space<semaphore_mem>>) attributes {dimension_semantics = [#tpu.dimension_semantics<core_parallel>, #tpu.dimension_semantics<subcore_parallel>], iteration_bounds = array<i64: 2, 16>, scalar_prefetch = 0 : i64, scratch_operands = 3 : i64, tpu.core_type = #tpu.core_type<sc_vector_subcore>, window_params = [{transform_indices = #map}, {transform_indices = #map1}, {transform_indices = #map}]} {
    %mul3A = arith.constant 2 : i32
    %mul3A_0 = arith.muli %arg1, %mul3A : i32
    %add3A = arith.addi %mul3A_0, %arg0 : i32
    %mul3A_1 = arith.constant 32 : i32
    %mul3A_2 = arith.muli %add3A, %mul3A_1 : i32
    "tpu.region"() ({
      %run_scoped3A = tpu.sem_alloc : memref<!tpu.dma_semaphore, #tpu.memory_space<semaphore_mem>>
      %dma_start3A_7 = tpu.memref_slice %arg3[%mul3A_2] : memref<1024xi32, #tpu.memory_space<hbm>> -> memref<32xi32, #tpu.memory_space<hbm>>
      %dma_start3A_8 = tpu.memref_slice %arg3[%mul3A_2] : memref<1024xi32, #tpu.memory_space<hbm>> -> memref<32xi32, #tpu.memory_space<hbm>>
      tpu.enqueue_dma source(%dma_start3A_8 : memref<32xi32, #tpu.memory_space<hbm>>) target(%arg5 : memref<32xi32, #tpu.memory_space<vmem>>) target_semaphore(%run_scoped3A : memref<!tpu.dma_semaphore, #tpu.memory_space<semaphore_mem>>)
      %dma_wait3A_9 = tpu.memref_slice %arg3[%mul3A_2] : memref<1024xi32, #tpu.memory_space<hbm>> -> memref<32xi32, #tpu.memory_space<hbm>>
      %dma_wait3A_10 = tpu.memref_slice %arg3[%mul3A_2] : memref<1024xi32, #tpu.memory_space<hbm>> -> memref<32xi32, #tpu.memory_space<hbm>>
      tpu.wait_dma2 semaphore(%run_scoped3A : memref<!tpu.dma_semaphore, #tpu.memory_space<semaphore_mem>>) src(%dma_wait3A_10 : memref<32xi32, #tpu.memory_space<hbm>>) dst(%arg5 : memref<32xi32, #tpu.memory_space<vmem>>)
      tpu.yield
    }) : () -> ()
    %dma_start3A = arith.constant 0 : i32
    %dma_start3A_3 = arith.constant 0 : i32
    %dma_start3A_4 = tpu.memref_slice %arg2[%dma_start3A, %dma_start3A_3] : memref<1000x128xf32, #tpu.memory_space<hbm>> -> memref<1000x128xf32, #tpu.memory_space<hbm>>
    tpu.enqueue_indirect_dma source(%dma_start3A_4 : memref<1000x128xf32, #tpu.memory_space<hbm>>) target(%arg6 : memref<32x128xf32, #tpu.memory_space<vmem>>) offsets(%arg5 : memref<32xi32, #tpu.memory_space<vmem>>) semaphore(%arg7 : memref<!tpu.dma_semaphore, #tpu.memory_space<semaphore_mem>>)
    %dma_wait3A = arith.constant 0 : i32
    %dma_wait3A_5 = arith.constant 0 : i32
    %dma_wait3A_6 = tpu.memref_slice %arg2[%dma_wait3A, %dma_wait3A_5] : memref<1000x128xf32, #tpu.memory_space<hbm>> -> memref<1000x128xf32, #tpu.memory_space<hbm>>
    tpu.wait_indirect_dma semaphore(%arg7 : memref<!tpu.dma_semaphore, #tpu.memory_space<semaphore_mem>>) src(%dma_wait3A_6 : memref<1000x128xf32, #tpu.memory_space<hbm>>) dst(%arg6 : memref<32x128xf32, #tpu.memory_space<vmem>>)
    "tpu.region"() ({
      %run_scoped3A = tpu.sem_alloc : memref<!tpu.dma_semaphore, #tpu.memory_space<semaphore_mem>>
      %dma_start3A_7 = arith.constant 0 : i32
      %dma_start3A_8 = tpu.memref_slice %arg4[%mul3A_2, %dma_start3A_7] : memref<1024x128xf32, #tpu.memory_space<hbm>> -> memref<32x128xf32, #tpu.memory_space<hbm>>
      %dma_start3A_9 = arith.constant 0 : i32
      %dma_start3A_10 = tpu.memref_slice %arg4[%mul3A_2, %dma_start3A_9] : memref<1024x128xf32, #tpu.memory_space<hbm>> -> memref<32x128xf32, #tpu.memory_space<hbm>>
      tpu.enqueue_dma source(%arg6 : memref<32x128xf32, #tpu.memory_space<vmem>>) target(%dma_start3A_10 : memref<32x128xf32, #tpu.memory_space<hbm>>) target_semaphore(%run_scoped3A : memref<!tpu.dma_semaphore, #tpu.memory_space<semaphore_mem>>)
      %dma_wait3A_11 = arith.constant 0 : i32
      %dma_wait3A_12 = tpu.memref_slice %arg4[%mul3A_2, %dma_wait3A_11] : memref<1024x128xf32, #tpu.memory_space<hbm>> -> memref<32x128xf32, #tpu.memory_space<hbm>>
      %dma_wait3A_13 = arith.constant 0 : i32
      %dma_wait3A_14 = tpu.memref_slice %arg4[%mul3A_2, %dma_wait3A_13] : memref<1024x128xf32, #tpu.memory_space<hbm>> -> memref<32x128xf32, #tpu.memory_space<hbm>>
      tpu.wait_dma2 semaphore(%run_scoped3A : memref<!tpu.dma_semaphore, #tpu.memory_space<semaphore_mem>>) src(%arg6 : memref<32x128xf32, #tpu.memory_space<vmem>>) dst(%dma_wait3A_14 : memref<32x128xf32, #tpu.memory_space<hbm>>)
      tpu.yield
    }) : () -> ()
    return
  }
}

module attributes {stable_mosaic.version = 14 : i64} {
  func.func @_gat_kernel(%arg0: memref<1024x128xf32, #tpu.memory_space<vmem>>, %arg1: memref<1000x1000xf32, #tpu.memory_space<vmem>>, %arg2: memref<2x64xf32, #tpu.memory_space<vmem>>, %arg3: memref<2x64xf32, #tpu.memory_space<vmem>>, %arg4: memref<2x64xf32, #tpu.memory_space<vmem>>, %arg5: memref<2x64xf32, #tpu.memory_space<vmem>>, %arg6: memref<2x64xf32, #tpu.memory_space<vmem>>, %arg7: memref<2x64xf32, #tpu.memory_space<vmem>>, %arg8: memref<1000x64xf32, #tpu.memory_space<vmem>>) attributes {dimension_semantics = [], scalar_prefetch = 0 : i64, scratch_operands = 0 : i64, tpu.core_type = #tpu.core_type<tc>} {
    %get3A = arith.constant 0 : index
    %get3A_0 = arith.constant 0 : index
    %get3A_1 = vector.load %arg1[%get3A, %get3A_0] : memref<1000x1000xf32, #tpu.memory_space<vmem>>, vector<1000x1000xf32>
    %get3A_2 = arith.constant 0 : index
    %get3A_3 = arith.constant 0 : index
    %get3A_4 = vector.load %arg0[%get3A_2, %get3A_3] : memref<1024x128xf32, #tpu.memory_space<vmem>>, vector<1024x128xf32>
    %slice3A = vector.extract_strided_slice %get3A_4 {offsets = [0, 0], sizes = [1000, 64], strides = [1, 1]} : vector<1024x128xf32> to vector<1000x64xf32>
    %broadcast_in_dim3A = arith.constant 0.000000e+00 : f32
    %broadcast_in_dim3A_5 = vector.broadcast %broadcast_in_dim3A : f32 to vector<1000x64xf32>
    %get3A_6 = arith.constant 0 : index
    %get3A_7 = arith.constant 0 : index
    %get3A_8 = vector.load %arg2[%get3A_6, %get3A_7] : memref<2x64xf32, #tpu.memory_space<vmem>>, vector<1x64xf32>
    %get3A_9 = vector.shape_cast %get3A_8 : vector<1x64xf32> to vector<64xf32>
    %broadcast_in_dim3A_10 = vector.shape_cast %get3A_9 : vector<64xf32> to vector<1x64xf32>
    %mul3A = vector.broadcast %broadcast_in_dim3A_10 : vector<1x64xf32> to vector<1000x64xf32>
    %mul3A_11 = arith.mulf %slice3A, %mul3A : vector<1000x64xf32>
    %get3A_12 = arith.constant 0 : index
    %get3A_13 = arith.constant 0 : index
    %get3A_14 = vector.load %arg3[%get3A_12, %get3A_13] : memref<2x64xf32, #tpu.memory_space<vmem>>, vector<1x64xf32>
    %get3A_15 = vector.shape_cast %get3A_14 : vector<1x64xf32> to vector<64xf32>
    %broadcast_in_dim3A_16 = vector.shape_cast %get3A_15 : vector<64xf32> to vector<1x64xf32>
    %mul3A_17 = vector.broadcast %broadcast_in_dim3A_16 : vector<1x64xf32> to vector<1000x64xf32>
    %mul3A_18 = arith.mulf %mul3A_11, %mul3A_17 : vector<1000x64xf32>
    %reduce_sum3A = arith.constant dense<0.000000e+00> : vector<1000xf32>
    %reduce_sum3A_19 = vector.multi_reduction <add>, %mul3A_18, %reduce_sum3A [1] : vector<1000x64xf32> to vector<1000xf32>
    %broadcast_in_dim3A_20 = vector.shape_cast %reduce_sum3A_19 : vector<1000xf32> to vector<1000x1xf32>
    %get3A_21 = arith.constant 0 : index
    %get3A_22 = arith.constant 0 : index
    %get3A_23 = vector.load %arg4[%get3A_21, %get3A_22] : memref<2x64xf32, #tpu.memory_space<vmem>>, vector<1x64xf32>
    %get3A_24 = vector.shape_cast %get3A_23 : vector<1x64xf32> to vector<64xf32>
    %broadcast_in_dim3A_25 = vector.shape_cast %get3A_24 : vector<64xf32> to vector<1x64xf32>
    %mul3A_26 = vector.broadcast %broadcast_in_dim3A_25 : vector<1x64xf32> to vector<1000x64xf32>
    %mul3A_27 = arith.mulf %mul3A_11, %mul3A_26 : vector<1000x64xf32>
    %reduce_sum3A_28 = arith.constant dense<0.000000e+00> : vector<1000xf32>
    %reduce_sum3A_29 = vector.multi_reduction <add>, %mul3A_27, %reduce_sum3A_28 [1] : vector<1000x64xf32> to vector<1000xf32>
    %broadcast_in_dim3A_30 = vector.shape_cast %reduce_sum3A_29 : vector<1000xf32> to vector<1000x1xf32>
    %transpose3A = tpu.transpose %broadcast_in_dim3A_30, [1, 0] : vector<1000x1xf32> -> vector<1x1000xf32>
    %add3A = vector.broadcast %broadcast_in_dim3A_20 : vector<1000x1xf32> to vector<1000x1000xf32>
    %add3A_31 = vector.broadcast %transpose3A : vector<1x1000xf32> to vector<1000x1000xf32>
    %add3A_32 = arith.addf %add3A, %add3A_31 : vector<1000x1000xf32>
    %gt3A = arith.constant 0.000000e+00 : f32
    %gt3A_33 = vector.broadcast %gt3A : f32 to vector<1000x1000xf32>
    %gt3A_34 = arith.cmpf ogt, %add3A_32, %gt3A_33 : vector<1000x1000xf32>
    %mul3A_35 = arith.constant 2.000000e-01 : f32
    %mul3A_36 = vector.broadcast %mul3A_35 : f32 to vector<1000x1000xf32>
    %mul3A_37 = arith.mulf %mul3A_36, %add3A_32 : vector<1000x1000xf32>
    %select_n3A = arith.select %gt3A_34, %add3A_32, %mul3A_37 : vector<1000x1000xi1>, vector<1000x1000xf32>
    %gt3A_38 = arith.constant 0.000000e+00 : f32
    %gt3A_39 = vector.broadcast %gt3A_38 : f32 to vector<1000x1000xf32>
    %gt3A_40 = arith.cmpf ogt, %get3A_1, %gt3A_39 : vector<1000x1000xf32>
    %jit3A = arith.constant -1.000000e+09 : f32
    %broadcast_in_dim3A_41 = vector.broadcast %jit3A : f32 to vector<1000x1000xf32>
    %select_n3A_42 = arith.select %gt3A_40, %select_n3A, %broadcast_in_dim3A_41 : vector<1000x1000xi1>, vector<1000x1000xf32>
    %reduce_max3A = arith.constant dense<0xFF800000> : vector<1000xf32>
    %reduce_max3A_43 = vector.multi_reduction <maximumf>, %select_n3A_42, %reduce_max3A [1] : vector<1000x1000xf32> to vector<1000xf32>
    %broadcast_in_dim3A_44 = vector.shape_cast %reduce_max3A_43 : vector<1000xf32> to vector<1000x1xf32>
    %sub3A = vector.broadcast %broadcast_in_dim3A_44 : vector<1000x1xf32> to vector<1000x1000xf32>
    %sub3A_45 = arith.subf %select_n3A_42, %sub3A : vector<1000x1000xf32>
    %exp3A = math.exp %sub3A_45 : vector<1000x1000xf32>
    %reduce_sum3A_46 = arith.constant dense<0.000000e+00> : vector<1000xf32>
    %reduce_sum3A_47 = vector.multi_reduction <add>, %exp3A, %reduce_sum3A_46 [1] : vector<1000x1000xf32> to vector<1000xf32>
    %broadcast_in_dim3A_48 = vector.shape_cast %reduce_sum3A_47 : vector<1000xf32> to vector<1000x1xf32>
    %div3A = vector.broadcast %broadcast_in_dim3A_48 : vector<1000x1xf32> to vector<1000x1000xf32>
    %div3A_49 = arith.divf %exp3A, %div3A : vector<1000x1000xf32>
    %dot_general3A = arith.constant dense<0.000000e+00> : vector<1000x64xf32>
    %dot_general3A_50 = tpu.matmul %div3A_49, %mul3A_11, %dot_general3A {dimension_numbers = #tpu.dot_dimension_numbers<[1], [0], [0], [1], [0, 0, 1, 1], [], []>, transpose_lhs_hint = false} : vector<1000x1000xf32>, vector<1000x64xf32>, vector<1000x64xf32> -> vector<1000x64xf32>
    %add3A_51 = arith.addf %broadcast_in_dim3A_5, %dot_general3A_50 : vector<1000x64xf32>
    %get3A_52 = arith.constant 1 : index
    %get3A_53 = arith.constant 0 : index
    %get3A_54 = vector.load %arg2[%get3A_52, %get3A_53] : memref<2x64xf32, #tpu.memory_space<vmem>>, vector<1x64xf32>
    %get3A_55 = vector.shape_cast %get3A_54 : vector<1x64xf32> to vector<64xf32>
    %broadcast_in_dim3A_56 = vector.shape_cast %get3A_55 : vector<64xf32> to vector<1x64xf32>
    %mul3A_57 = vector.broadcast %broadcast_in_dim3A_56 : vector<1x64xf32> to vector<1000x64xf32>
    %mul3A_58 = arith.mulf %slice3A, %mul3A_57 : vector<1000x64xf32>
    %get3A_59 = arith.constant 1 : index
    %get3A_60 = arith.constant 0 : index
    %get3A_61 = vector.load %arg3[%get3A_59, %get3A_60] : memref<2x64xf32, #tpu.memory_space<vmem>>, vector<1x64xf32>
    %get3A_62 = vector.shape_cast %get3A_61 : vector<1x64xf32> to vector<64xf32>
    %broadcast_in_dim3A_63 = vector.shape_cast %get3A_62 : vector<64xf32> to vector<1x64xf32>
    %mul3A_64 = vector.broadcast %broadcast_in_dim3A_63 : vector<1x64xf32> to vector<1000x64xf32>
    %mul3A_65 = arith.mulf %mul3A_58, %mul3A_64 : vector<1000x64xf32>
    %reduce_sum3A_66 = arith.constant dense<0.000000e+00> : vector<1000xf32>
    %reduce_sum3A_67 = vector.multi_reduction <add>, %mul3A_65, %reduce_sum3A_66 [1] : vector<1000x64xf32> to vector<1000xf32>
    %broadcast_in_dim3A_68 = vector.shape_cast %reduce_sum3A_67 : vector<1000xf32> to vector<1000x1xf32>
    %get3A_69 = arith.constant 1 : index
    %get3A_70 = arith.constant 0 : index
    %get3A_71 = vector.load %arg4[%get3A_69, %get3A_70] : memref<2x64xf32, #tpu.memory_space<vmem>>, vector<1x64xf32>
    %get3A_72 = vector.shape_cast %get3A_71 : vector<1x64xf32> to vector<64xf32>
    %broadcast_in_dim3A_73 = vector.shape_cast %get3A_72 : vector<64xf32> to vector<1x64xf32>
    %mul3A_74 = vector.broadcast %broadcast_in_dim3A_73 : vector<1x64xf32> to vector<1000x64xf32>
    %mul3A_75 = arith.mulf %mul3A_58, %mul3A_74 : vector<1000x64xf32>
    %reduce_sum3A_76 = arith.constant dense<0.000000e+00> : vector<1000xf32>
    %reduce_sum3A_77 = vector.multi_reduction <add>, %mul3A_75, %reduce_sum3A_76 [1] : vector<1000x64xf32> to vector<1000xf32>
    %broadcast_in_dim3A_78 = vector.shape_cast %reduce_sum3A_77 : vector<1000xf32> to vector<1000x1xf32>
    %transpose3A_79 = tpu.transpose %broadcast_in_dim3A_78, [1, 0] : vector<1000x1xf32> -> vector<1x1000xf32>
    %add3A_80 = vector.broadcast %broadcast_in_dim3A_68 : vector<1000x1xf32> to vector<1000x1000xf32>
    %add3A_81 = vector.broadcast %transpose3A_79 : vector<1x1000xf32> to vector<1000x1000xf32>
    %add3A_82 = arith.addf %add3A_80, %add3A_81 : vector<1000x1000xf32>
    %gt3A_83 = arith.constant 0.000000e+00 : f32
    %gt3A_84 = vector.broadcast %gt3A_83 : f32 to vector<1000x1000xf32>
    %gt3A_85 = arith.cmpf ogt, %add3A_82, %gt3A_84 : vector<1000x1000xf32>
    %mul3A_86 = arith.constant 2.000000e-01 : f32
    %mul3A_87 = vector.broadcast %mul3A_86 : f32 to vector<1000x1000xf32>
    %mul3A_88 = arith.mulf %mul3A_87, %add3A_82 : vector<1000x1000xf32>
    %select_n3A_89 = arith.select %gt3A_85, %add3A_82, %mul3A_88 : vector<1000x1000xi1>, vector<1000x1000xf32>
    %gt3A_90 = arith.constant 0.000000e+00 : f32
    %gt3A_91 = vector.broadcast %gt3A_90 : f32 to vector<1000x1000xf32>
    %gt3A_92 = arith.cmpf ogt, %get3A_1, %gt3A_91 : vector<1000x1000xf32>
    %jit3A_93 = arith.constant -1.000000e+09 : f32
    %broadcast_in_dim3A_94 = vector.broadcast %jit3A_93 : f32 to vector<1000x1000xf32>
    %select_n3A_95 = arith.select %gt3A_92, %select_n3A_89, %broadcast_in_dim3A_94 : vector<1000x1000xi1>, vector<1000x1000xf32>
    %reduce_max3A_96 = arith.constant dense<0xFF800000> : vector<1000xf32>
    %reduce_max3A_97 = vector.multi_reduction <maximumf>, %select_n3A_95, %reduce_max3A_96 [1] : vector<1000x1000xf32> to vector<1000xf32>
    %broadcast_in_dim3A_98 = vector.shape_cast %reduce_max3A_97 : vector<1000xf32> to vector<1000x1xf32>
    %sub3A_99 = vector.broadcast %broadcast_in_dim3A_98 : vector<1000x1xf32> to vector<1000x1000xf32>
    %sub3A_100 = arith.subf %select_n3A_95, %sub3A_99 : vector<1000x1000xf32>
    %exp3A_101 = math.exp %sub3A_100 : vector<1000x1000xf32>
    %reduce_sum3A_102 = arith.constant dense<0.000000e+00> : vector<1000xf32>
    %reduce_sum3A_103 = vector.multi_reduction <add>, %exp3A_101, %reduce_sum3A_102 [1] : vector<1000x1000xf32> to vector<1000xf32>
    %broadcast_in_dim3A_104 = vector.shape_cast %reduce_sum3A_103 : vector<1000xf32> to vector<1000x1xf32>
    %div3A_105 = vector.broadcast %broadcast_in_dim3A_104 : vector<1000x1xf32> to vector<1000x1000xf32>
    %div3A_106 = arith.divf %exp3A_101, %div3A_105 : vector<1000x1000xf32>
    %dot_general3A_107 = arith.constant dense<0.000000e+00> : vector<1000x64xf32>
    %dot_general3A_108 = tpu.matmul %div3A_106, %mul3A_58, %dot_general3A_107 {dimension_numbers = #tpu.dot_dimension_numbers<[1], [0], [0], [1], [0, 0, 1, 1], [], []>, transpose_lhs_hint = false} : vector<1000x1000xf32>, vector<1000x64xf32>, vector<1000x64xf32> -> vector<1000x64xf32>
    %add3A_109 = arith.addf %add3A_51, %dot_general3A_108 : vector<1000x64xf32>
    %mul3A_110 = arith.constant 5.000000e-01 : f32
    %mul3A_111 = vector.broadcast %mul3A_110 : f32 to vector<1000x64xf32>
    %mul3A_112 = arith.mulf %add3A_109, %mul3A_111 : vector<1000x64xf32>
    %gt3A_113 = arith.constant 0.000000e+00 : f32
    %gt3A_114 = vector.broadcast %gt3A_113 : f32 to vector<1000x64xf32>
    %gt3A_115 = arith.cmpf ogt, %mul3A_112, %gt3A_114 : vector<1000x64xf32>
    %exp3A_116 = math.exp %mul3A_112 : vector<1000x64xf32>
    %sub3A_117 = arith.constant 1.000000e+00 : f32
    %sub3A_118 = vector.broadcast %sub3A_117 : f32 to vector<1000x64xf32>
    %sub3A_119 = arith.subf %exp3A_116, %sub3A_118 : vector<1000x64xf32>
    %select_n3A_120 = arith.select %gt3A_115, %mul3A_112, %sub3A_119 : vector<1000x64xi1>, vector<1000x64xf32>
    %broadcast_in_dim3A_121 = arith.constant 0.000000e+00 : f32
    %broadcast_in_dim3A_122 = vector.broadcast %broadcast_in_dim3A_121 : f32 to vector<1000x64xf32>
    %get3A_123 = arith.constant 0 : index
    %get3A_124 = arith.constant 0 : index
    %get3A_125 = vector.load %arg5[%get3A_123, %get3A_124] : memref<2x64xf32, #tpu.memory_space<vmem>>, vector<1x64xf32>
    %get3A_126 = vector.shape_cast %get3A_125 : vector<1x64xf32> to vector<64xf32>
    %broadcast_in_dim3A_127 = vector.shape_cast %get3A_126 : vector<64xf32> to vector<1x64xf32>
    %mul3A_128 = vector.broadcast %broadcast_in_dim3A_127 : vector<1x64xf32> to vector<1000x64xf32>
    %mul3A_129 = arith.mulf %select_n3A_120, %mul3A_128 : vector<1000x64xf32>
    %get3A_130 = arith.constant 0 : index
    %get3A_131 = arith.constant 0 : index
    %get3A_132 = vector.load %arg6[%get3A_130, %get3A_131] : memref<2x64xf32, #tpu.memory_space<vmem>>, vector<1x64xf32>
    %get3A_133 = vector.shape_cast %get3A_132 : vector<1x64xf32> to vector<64xf32>
    %broadcast_in_dim3A_134 = vector.shape_cast %get3A_133 : vector<64xf32> to vector<1x64xf32>
    %mul3A_135 = vector.broadcast %broadcast_in_dim3A_134 : vector<1x64xf32> to vector<1000x64xf32>
    %mul3A_136 = arith.mulf %mul3A_129, %mul3A_135 : vector<1000x64xf32>
    %reduce_sum3A_137 = arith.constant dense<0.000000e+00> : vector<1000xf32>
    %reduce_sum3A_138 = vector.multi_reduction <add>, %mul3A_136, %reduce_sum3A_137 [1] : vector<1000x64xf32> to vector<1000xf32>
    %broadcast_in_dim3A_139 = vector.shape_cast %reduce_sum3A_138 : vector<1000xf32> to vector<1000x1xf32>
    %get3A_140 = arith.constant 0 : index
    %get3A_141 = arith.constant 0 : index
    %get3A_142 = vector.load %arg7[%get3A_140, %get3A_141] : memref<2x64xf32, #tpu.memory_space<vmem>>, vector<1x64xf32>
    %get3A_143 = vector.shape_cast %get3A_142 : vector<1x64xf32> to vector<64xf32>
    %broadcast_in_dim3A_144 = vector.shape_cast %get3A_143 : vector<64xf32> to vector<1x64xf32>
    %mul3A_145 = vector.broadcast %broadcast_in_dim3A_144 : vector<1x64xf32> to vector<1000x64xf32>
    %mul3A_146 = arith.mulf %mul3A_129, %mul3A_145 : vector<1000x64xf32>
    %reduce_sum3A_147 = arith.constant dense<0.000000e+00> : vector<1000xf32>
    %reduce_sum3A_148 = vector.multi_reduction <add>, %mul3A_146, %reduce_sum3A_147 [1] : vector<1000x64xf32> to vector<1000xf32>
    %broadcast_in_dim3A_149 = vector.shape_cast %reduce_sum3A_148 : vector<1000xf32> to vector<1000x1xf32>
    %transpose3A_150 = tpu.transpose %broadcast_in_dim3A_149, [1, 0] : vector<1000x1xf32> -> vector<1x1000xf32>
    %add3A_151 = vector.broadcast %broadcast_in_dim3A_139 : vector<1000x1xf32> to vector<1000x1000xf32>
    %add3A_152 = vector.broadcast %transpose3A_150 : vector<1x1000xf32> to vector<1000x1000xf32>
    %add3A_153 = arith.addf %add3A_151, %add3A_152 : vector<1000x1000xf32>
    %gt3A_154 = arith.constant 0.000000e+00 : f32
    %gt3A_155 = vector.broadcast %gt3A_154 : f32 to vector<1000x1000xf32>
    %gt3A_156 = arith.cmpf ogt, %add3A_153, %gt3A_155 : vector<1000x1000xf32>
    %mul3A_157 = arith.constant 2.000000e-01 : f32
    %mul3A_158 = vector.broadcast %mul3A_157 : f32 to vector<1000x1000xf32>
    %mul3A_159 = arith.mulf %mul3A_158, %add3A_153 : vector<1000x1000xf32>
    %select_n3A_160 = arith.select %gt3A_156, %add3A_153, %mul3A_159 : vector<1000x1000xi1>, vector<1000x1000xf32>
    %gt3A_161 = arith.constant 0.000000e+00 : f32
    %gt3A_162 = vector.broadcast %gt3A_161 : f32 to vector<1000x1000xf32>
    %gt3A_163 = arith.cmpf ogt, %get3A_1, %gt3A_162 : vector<1000x1000xf32>
    %jit3A_164 = arith.constant -1.000000e+09 : f32
    %broadcast_in_dim3A_165 = vector.broadcast %jit3A_164 : f32 to vector<1000x1000xf32>
    %select_n3A_166 = arith.select %gt3A_163, %select_n3A_160, %broadcast_in_dim3A_165 : vector<1000x1000xi1>, vector<1000x1000xf32>
    %reduce_max3A_167 = arith.constant dense<0xFF800000> : vector<1000xf32>
    %reduce_max3A_168 = vector.multi_reduction <maximumf>, %select_n3A_166, %reduce_max3A_167 [1] : vector<1000x1000xf32> to vector<1000xf32>
    %broadcast_in_dim3A_169 = vector.shape_cast %reduce_max3A_168 : vector<1000xf32> to vector<1000x1xf32>
    %sub3A_170 = vector.broadcast %broadcast_in_dim3A_169 : vector<1000x1xf32> to vector<1000x1000xf32>
    %sub3A_171 = arith.subf %select_n3A_166, %sub3A_170 : vector<1000x1000xf32>
    %exp3A_172 = math.exp %sub3A_171 : vector<1000x1000xf32>
    %reduce_sum3A_173 = arith.constant dense<0.000000e+00> : vector<1000xf32>
    %reduce_sum3A_174 = vector.multi_reduction <add>, %exp3A_172, %reduce_sum3A_173 [1] : vector<1000x1000xf32> to vector<1000xf32>
    %broadcast_in_dim3A_175 = vector.shape_cast %reduce_sum3A_174 : vector<1000xf32> to vector<1000x1xf32>
    %div3A_176 = vector.broadcast %broadcast_in_dim3A_175 : vector<1000x1xf32> to vector<1000x1000xf32>
    %div3A_177 = arith.divf %exp3A_172, %div3A_176 : vector<1000x1000xf32>
    %dot_general3A_178 = arith.constant dense<0.000000e+00> : vector<1000x64xf32>
    %dot_general3A_179 = tpu.matmul %div3A_177, %mul3A_129, %dot_general3A_178 {dimension_numbers = #tpu.dot_dimension_numbers<[1], [0], [0], [1], [0, 0, 1, 1], [], []>, transpose_lhs_hint = false} : vector<1000x1000xf32>, vector<1000x64xf32>, vector<1000x64xf32> -> vector<1000x64xf32>
    %add3A_180 = arith.addf %broadcast_in_dim3A_122, %dot_general3A_179 : vector<1000x64xf32>
    %get3A_181 = arith.constant 1 : index
    %get3A_182 = arith.constant 0 : index
    %get3A_183 = vector.load %arg5[%get3A_181, %get3A_182] : memref<2x64xf32, #tpu.memory_space<vmem>>, vector<1x64xf32>
    %get3A_184 = vector.shape_cast %get3A_183 : vector<1x64xf32> to vector<64xf32>
    %broadcast_in_dim3A_185 = vector.shape_cast %get3A_184 : vector<64xf32> to vector<1x64xf32>
    %mul3A_186 = vector.broadcast %broadcast_in_dim3A_185 : vector<1x64xf32> to vector<1000x64xf32>
    %mul3A_187 = arith.mulf %select_n3A_120, %mul3A_186 : vector<1000x64xf32>
    %get3A_188 = arith.constant 1 : index
    %get3A_189 = arith.constant 0 : index
    %get3A_190 = vector.load %arg6[%get3A_188, %get3A_189] : memref<2x64xf32, #tpu.memory_space<vmem>>, vector<1x64xf32>
    %get3A_191 = vector.shape_cast %get3A_190 : vector<1x64xf32> to vector<64xf32>
    %broadcast_in_dim3A_192 = vector.shape_cast %get3A_191 : vector<64xf32> to vector<1x64xf32>
    %mul3A_193 = vector.broadcast %broadcast_in_dim3A_192 : vector<1x64xf32> to vector<1000x64xf32>
    %mul3A_194 = arith.mulf %mul3A_187, %mul3A_193 : vector<1000x64xf32>
    %reduce_sum3A_195 = arith.constant dense<0.000000e+00> : vector<1000xf32>
    %reduce_sum3A_196 = vector.multi_reduction <add>, %mul3A_194, %reduce_sum3A_195 [1] : vector<1000x64xf32> to vector<1000xf32>
    %broadcast_in_dim3A_197 = vector.shape_cast %reduce_sum3A_196 : vector<1000xf32> to vector<1000x1xf32>
    %get3A_198 = arith.constant 1 : index
    %get3A_199 = arith.constant 0 : index
    %get3A_200 = vector.load %arg7[%get3A_198, %get3A_199] : memref<2x64xf32, #tpu.memory_space<vmem>>, vector<1x64xf32>
    %get3A_201 = vector.shape_cast %get3A_200 : vector<1x64xf32> to vector<64xf32>
    %broadcast_in_dim3A_202 = vector.shape_cast %get3A_201 : vector<64xf32> to vector<1x64xf32>
    %mul3A_203 = vector.broadcast %broadcast_in_dim3A_202 : vector<1x64xf32> to vector<1000x64xf32>
    %mul3A_204 = arith.mulf %mul3A_187, %mul3A_203 : vector<1000x64xf32>
    %reduce_sum3A_205 = arith.constant dense<0.000000e+00> : vector<1000xf32>
    %reduce_sum3A_206 = vector.multi_reduction <add>, %mul3A_204, %reduce_sum3A_205 [1] : vector<1000x64xf32> to vector<1000xf32>
    %broadcast_in_dim3A_207 = vector.shape_cast %reduce_sum3A_206 : vector<1000xf32> to vector<1000x1xf32>
    %transpose3A_208 = tpu.transpose %broadcast_in_dim3A_207, [1, 0] : vector<1000x1xf32> -> vector<1x1000xf32>
    %add3A_209 = vector.broadcast %broadcast_in_dim3A_197 : vector<1000x1xf32> to vector<1000x1000xf32>
    %add3A_210 = vector.broadcast %transpose3A_208 : vector<1x1000xf32> to vector<1000x1000xf32>
    %add3A_211 = arith.addf %add3A_209, %add3A_210 : vector<1000x1000xf32>
    %gt3A_212 = arith.constant 0.000000e+00 : f32
    %gt3A_213 = vector.broadcast %gt3A_212 : f32 to vector<1000x1000xf32>
    %gt3A_214 = arith.cmpf ogt, %add3A_211, %gt3A_213 : vector<1000x1000xf32>
    %mul3A_215 = arith.constant 2.000000e-01 : f32
    %mul3A_216 = vector.broadcast %mul3A_215 : f32 to vector<1000x1000xf32>
    %mul3A_217 = arith.mulf %mul3A_216, %add3A_211 : vector<1000x1000xf32>
    %select_n3A_218 = arith.select %gt3A_214, %add3A_211, %mul3A_217 : vector<1000x1000xi1>, vector<1000x1000xf32>
    %gt3A_219 = arith.constant 0.000000e+00 : f32
    %gt3A_220 = vector.broadcast %gt3A_219 : f32 to vector<1000x1000xf32>
    %gt3A_221 = arith.cmpf ogt, %get3A_1, %gt3A_220 : vector<1000x1000xf32>
    %jit3A_222 = arith.constant -1.000000e+09 : f32
    %broadcast_in_dim3A_223 = vector.broadcast %jit3A_222 : f32 to vector<1000x1000xf32>
    %select_n3A_224 = arith.select %gt3A_221, %select_n3A_218, %broadcast_in_dim3A_223 : vector<1000x1000xi1>, vector<1000x1000xf32>
    %reduce_max3A_225 = arith.constant dense<0xFF800000> : vector<1000xf32>
    %reduce_max3A_226 = vector.multi_reduction <maximumf>, %select_n3A_224, %reduce_max3A_225 [1] : vector<1000x1000xf32> to vector<1000xf32>
    %broadcast_in_dim3A_227 = vector.shape_cast %reduce_max3A_226 : vector<1000xf32> to vector<1000x1xf32>
    %sub3A_228 = vector.broadcast %broadcast_in_dim3A_227 : vector<1000x1xf32> to vector<1000x1000xf32>
    %sub3A_229 = arith.subf %select_n3A_224, %sub3A_228 : vector<1000x1000xf32>
    %exp3A_230 = math.exp %sub3A_229 : vector<1000x1000xf32>
    %reduce_sum3A_231 = arith.constant dense<0.000000e+00> : vector<1000xf32>
    %reduce_sum3A_232 = vector.multi_reduction <add>, %exp3A_230, %reduce_sum3A_231 [1] : vector<1000x1000xf32> to vector<1000xf32>
    %broadcast_in_dim3A_233 = vector.shape_cast %reduce_sum3A_232 : vector<1000xf32> to vector<1000x1xf32>
    %div3A_234 = vector.broadcast %broadcast_in_dim3A_233 : vector<1000x1xf32> to vector<1000x1000xf32>
    %div3A_235 = arith.divf %exp3A_230, %div3A_234 : vector<1000x1000xf32>
    %dot_general3A_236 = arith.constant dense<0.000000e+00> : vector<1000x64xf32>
    %dot_general3A_237 = tpu.matmul %div3A_235, %mul3A_187, %dot_general3A_236 {dimension_numbers = #tpu.dot_dimension_numbers<[1], [0], [0], [1], [0, 0, 1, 1], [], []>, transpose_lhs_hint = false} : vector<1000x1000xf32>, vector<1000x64xf32>, vector<1000x64xf32> -> vector<1000x64xf32>
    %add3A_238 = arith.addf %add3A_180, %dot_general3A_237 : vector<1000x64xf32>
    %mul3A_239 = arith.constant 5.000000e-01 : f32
    %mul3A_240 = vector.broadcast %mul3A_239 : f32 to vector<1000x64xf32>
    %mul3A_241 = arith.mulf %add3A_238, %mul3A_240 : vector<1000x64xf32>
    %swap3A = arith.constant 0 : index
    %swap3A_242 = arith.constant 0 : index
    %swap3A_243 = vector.load %arg8[%swap3A, %swap3A_242] : memref<1000x64xf32, #tpu.memory_space<vmem>>, vector<1000x64xf32>
    tpu.vector_store %arg8[%swap3A, %swap3A_242], %mul3A_241 {strides = array<i32>} : memref<1000x64xf32, #tpu.memory_space<vmem>>, vector<1000x64xf32>,
    return
  }
}

module attributes {stable_mosaic.version = 14 : i64} {
  func.func @_fused_kernel(%arg0: i32, %arg1: memref<1000x128xf32, #tpu.memory_space<vmem>>, %arg2: memref<64x128xf32, #tpu.memory_space<vmem>>, %arg3: memref<1x64xf32, #tpu.memory_space<vmem>>, %arg4: memref<1024x64xf32, #tpu.memory_space<vmem>>, %arg5: memref<50000x1000xf32, #tpu.memory_space<hbm>>, %arg6: memref<4x1000x896xf32, #tpu.memory_space<vmem>>, %arg7: memref<4x1000x104xf32, #tpu.memory_space<vmem>>, %arg8: memref<2x4x!tpu.dma_semaphore, #tpu.memory_space<semaphore_mem>>) attributes {dimension_semantics = [#tpu.dimension_semantics<arbitrary>], iteration_bounds = array<i64: 50>, scalar_prefetch = 0 : i64, scratch_operands = 3 : i64, tpu.core_type = #tpu.core_type<tc>, window_params = [{transform_indices = @transform_0, window_bounds = array<i64: 1000, 128>}, {pipeline_mode = #tpu.pipeline_mode<synchronous>, transform_indices = @transform_1, window_bounds = array<i64: 64, 128>}, {pipeline_mode = #tpu.pipeline_mode<synchronous>, transform_indices = @transform_2, window_bounds = array<i64: 1, 64>}, {pipeline_mode = #tpu.pipeline_mode<synchronous>, transform_indices = @transform_3, window_bounds = array<i64: 1024, 64>}, {}]} {
    %rem3A = arith.constant 4 : i32
    %rem3A_0 = arith.remsi %arg0, %rem3A : i32
    %mul3A = arith.constant 1000 : i32
    %mul3A_1 = arith.muli %arg0, %mul3A : i32
    %ge3A = arith.constant 4 : i32
    %ge3A_2 = arith.cmpi sge, %arg0, %ge3A : i32
    %convert_element_type3A = arith.extui %ge3A_2 : i1 to i32
    %cond3A = arith.constant 0 : i32
    %cond3A_3 = arith.cmpi ne, %convert_element_type3A, %cond3A : i32
    scf.if %cond3A_3 {
      %dma_wait3A = arith.constant 0 : i32
      %dma_wait3A_54 = tpu.memref_slice %arg8[%dma_wait3A, %rem3A_0] : memref<2x4x!tpu.dma_semaphore, #tpu.memory_space<semaphore_mem>> -> memref<1x1x!tpu.dma_semaphore, #tpu.memory_space<semaphore_mem>>
      %dma_wait3A_55 = tpu.memref_squeeze %dma_wait3A_54 : memref<1x1x!tpu.dma_semaphore, #tpu.memory_space<semaphore_mem>> -> memref<!tpu.dma_semaphore, #tpu.memory_space<semaphore_mem>>
      %dma_wait3A_56 = arith.constant 0 : i32
      %dma_wait3A_57 = tpu.memref_slice %arg5[%mul3A_1, %dma_wait3A_56] : memref<50000x1000xf32, #tpu.memory_space<hbm>> -> memref<1000x896xf32, #tpu.memory_space<hbm>>
      %dma_wait3A_58 = arith.constant 0 : i32
      %dma_wait3A_59 = arith.constant 0 : i32
      %dma_wait3A_60 = tpu.memref_slice %arg6[%rem3A_0, %dma_wait3A_58, %dma_wait3A_59] : memref<4x1000x896xf32, #tpu.memory_space<vmem>> -> memref<1x1000x896xf32, #tpu.memory_space<vmem>>
      %dma_wait3A_61 = tpu.memref_squeeze %dma_wait3A_60 : memref<1x1000x896xf32, #tpu.memory_space<vmem>> -> memref<1000x896xf32, #tpu.memory_space<vmem>>
      tpu.wait_dma2 semaphore(%dma_wait3A_55 : memref<!tpu.dma_semaphore, #tpu.memory_space<semaphore_mem>>) src(%dma_wait3A_61 : memref<1000x896xf32, #tpu.memory_space<vmem>>) dst(%dma_wait3A_57 : memref<1000x896xf32, #tpu.memory_space<hbm>>)
      %dma_wait3A_62 = arith.constant 1 : i32
      %dma_wait3A_63 = tpu.memref_slice %arg8[%dma_wait3A_62, %rem3A_0] : memref<2x4x!tpu.dma_semaphore, #tpu.memory_space<semaphore_mem>> -> memref<1x1x!tpu.dma_semaphore, #tpu.memory_space<semaphore_mem>>
      %dma_wait3A_64 = tpu.memref_squeeze %dma_wait3A_63 : memref<1x1x!tpu.dma_semaphore, #tpu.memory_space<semaphore_mem>> -> memref<!tpu.dma_semaphore, #tpu.memory_space<semaphore_mem>>
      %dma_wait3A_65 = arith.constant 896 : i32
      %dma_wait3A_66 = tpu.memref_slice %arg5[%mul3A_1, %dma_wait3A_65] : memref<50000x1000xf32, #tpu.memory_space<hbm>> -> memref<1000x104xf32, #tpu.memory_space<hbm>>
      %dma_wait3A_67 = arith.constant 0 : i32
      %dma_wait3A_68 = arith.constant 0 : i32
      %dma_wait3A_69 = tpu.memref_slice %arg7[%rem3A_0, %dma_wait3A_67, %dma_wait3A_68] : memref<4x1000x104xf32, #tpu.memory_space<vmem>> -> memref<1x1000x104xf32, #tpu.memory_space<vmem>>
      %dma_wait3A_70 = tpu.memref_squeeze %dma_wait3A_69 : memref<1x1000x104xf32, #tpu.memory_space<vmem>> -> memref<1000x104xf32, #tpu.memory_space<vmem>>
      tpu.wait_dma2 semaphore(%dma_wait3A_64 : memref<!tpu.dma_semaphore, #tpu.memory_space<semaphore_mem>>) src(%dma_wait3A_70 : memref<1000x104xf32, #tpu.memory_space<vmem>>) dst(%dma_wait3A_66 : memref<1000x104xf32, #tpu.memory_space<hbm>>)
    } else {
    }
    %get3A = arith.constant 0 : index
    %get3A_4 = arith.constant 0 : index
    %get3A_5 = vector.load %arg1[%get3A, %get3A_4] : memref<1000x128xf32, #tpu.memory_space<vmem>>, vector<1000x128xf32>
    %get3A_6 = arith.constant 0 : index
    %get3A_7 = arith.constant 0 : index
    %get3A_8 = vector.load %arg2[%get3A_6, %get3A_7] : memref<64x128xf32, #tpu.memory_space<vmem>>, vector<64x128xf32>
    %dot_general3A = arith.constant dense<0.000000e+00> : vector<1000x64xf32>
    %dot_general3A_9 = tpu.matmul %get3A_5, %get3A_8, %dot_general3A {dimension_numbers = #tpu.dot_dimension_numbers<[1], [1], [0], [0], [0, 0, 1, 0], [], []>, transpose_lhs_hint = false} : vector<1000x128xf32>, vector<64x128xf32>, vector<1000x64xf32> -> vector<1000x64xf32>
    %get3A_10 = arith.constant 0 : index
    %get3A_11 = arith.constant 0 : index
    %get3A_12 = vector.load %arg3[%get3A_10, %get3A_11] : memref<1x64xf32, #tpu.memory_space<vmem>>, vector<1x64xf32>
    %add3A = vector.broadcast %get3A_12 : vector<1x64xf32> to vector<1000x64xf32>
    %add3A_13 = arith.addf %dot_general3A_9, %add3A : vector<1000x64xf32>
    %max3A = arith.constant 0.000000e+00 : f32
    %max3A_14 = vector.broadcast %max3A : f32 to vector<1000x64xf32>
    %max3A_15 = arith.maximumf %add3A_13, %max3A_14 : vector<1000x64xf32>
    %get3A_16 = arith.constant 0 : index
    %get3A_17 = arith.constant 0 : index
    %get3A_18 = vector.load %arg4[%get3A_16, %get3A_17] : memref<1024x64xf32, #tpu.memory_space<vmem>>, vector<1024x64xf32>
    %dot_general3A_19 = arith.constant dense<0.000000e+00> : vector<1000x1024xf32>
    %dot_general3A_20 = tpu.matmul %max3A_15, %get3A_18, %dot_general3A_19 {dimension_numbers = #tpu.dot_dimension_numbers<[1], [1], [0], [0], [0, 0, 1, 0], [], []>, transpose_lhs_hint = false} : vector<1000x64xf32>, vector<1024x64xf32>, vector<1000x1024xf32> -> vector<1000x1024xf32>
    %slice3A = vector.extract_strided_slice %dot_general3A_20 {offsets = [0, 0], sizes = [1000, 896], strides = [1, 1]} : vector<1000x1024xf32> to vector<1000x896xf32>
    %swap3A = arith.index_cast %rem3A_0 : i32 to index
    %swap3A_21 = arith.constant 0 : index
    %swap3A_22 = arith.constant 0 : index
    %swap3A_23 = vector.load %arg6[%swap3A, %swap3A_21, %swap3A_22] : memref<4x1000x896xf32, #tpu.memory_space<vmem>>, vector<1x1000x896xf32>
    %swap3A_24 = vector.shape_cast %swap3A_23 : vector<1x1000x896xf32> to vector<1000x896xf32>
    %swap3A_25 = vector.shape_cast %slice3A : vector<1000x896xf32> to vector<1x1000x896xf32>
    tpu.vector_store %arg6[%swap3A, %swap3A_21, %swap3A_22], %swap3A_25 {strides = array<i32>} : memref<4x1000x896xf32, #tpu.memory_space<vmem>>, vector<1x1000x896xf32>,
    %slice3A_26 = vector.extract_strided_slice %dot_general3A_20 {offsets = [0, 896], sizes = [1000, 104], strides = [1, 1]} : vector<1000x1024xf32> to vector<1000x104xf32>
    %swap3A_27 = arith.index_cast %rem3A_0 : i32 to index
    %swap3A_28 = arith.constant 0 : index
    %swap3A_29 = arith.constant 0 : index
    %swap3A_30 = vector.load %arg7[%swap3A_27, %swap3A_28, %swap3A_29] : memref<4x1000x104xf32, #tpu.memory_space<vmem>>, vector<1x1000x104xf32>
    %swap3A_31 = vector.shape_cast %swap3A_30 : vector<1x1000x104xf32> to vector<1000x104xf32>
    %swap3A_32 = vector.shape_cast %slice3A_26 : vector<1000x104xf32> to vector<1x1000x104xf32>
    tpu.vector_store %arg7[%swap3A_27, %swap3A_28, %swap3A_29], %swap3A_32 {strides = array<i32>} : memref<4x1000x104xf32, #tpu.memory_space<vmem>>, vector<1x1000x104xf32>,
    %dma_start3A = arith.constant 0 : i32
    %dma_start3A_33 = tpu.memref_slice %arg8[%dma_start3A, %rem3A_0] : memref<2x4x!tpu.dma_semaphore, #tpu.memory_space<semaphore_mem>> -> memref<1x1x!tpu.dma_semaphore, #tpu.memory_space<semaphore_mem>>
    %dma_start3A_34 = tpu.memref_squeeze %dma_start3A_33 : memref<1x1x!tpu.dma_semaphore, #tpu.memory_space<semaphore_mem>> -> memref<!tpu.dma_semaphore, #tpu.memory_space<semaphore_mem>>
    %dma_start3A_35 = arith.constant 0 : i32
    %dma_start3A_36 = tpu.memref_slice %arg5[%mul3A_1, %dma_start3A_35] : memref<50000x1000xf32, #tpu.memory_space<hbm>> -> memref<1000x896xf32, #tpu.memory_space<hbm>>
    %dma_start3A_37 = arith.constant 0 : i32
    %dma_start3A_38 = arith.constant 0 : i32
    %dma_start3A_39 = tpu.memref_slice %arg6[%rem3A_0, %dma_start3A_37, %dma_start3A_38] : memref<4x1000x896xf32, #tpu.memory_space<vmem>> -> memref<1x1000x896xf32, #tpu.memory_space<vmem>>
    %dma_start3A_40 = tpu.memref_squeeze %dma_start3A_39 : memref<1x1000x896xf32, #tpu.memory_space<vmem>> -> memref<1000x896xf32, #tpu.memory_space<vmem>>
    tpu.enqueue_dma source(%dma_start3A_40 : memref<1000x896xf32, #tpu.memory_space<vmem>>) target(%dma_start3A_36 : memref<1000x896xf32, #tpu.memory_space<hbm>>) target_semaphore(%dma_start3A_34 : memref<!tpu.dma_semaphore, #tpu.memory_space<semaphore_mem>>)
    %dma_start3A_41 = arith.constant 1 : i32
    %dma_start3A_42 = tpu.memref_slice %arg8[%dma_start3A_41, %rem3A_0] : memref<2x4x!tpu.dma_semaphore, #tpu.memory_space<semaphore_mem>> -> memref<1x1x!tpu.dma_semaphore, #tpu.memory_space<semaphore_mem>>
    %dma_start3A_43 = tpu.memref_squeeze %dma_start3A_42 : memref<1x1x!tpu.dma_semaphore, #tpu.memory_space<semaphore_mem>> -> memref<!tpu.dma_semaphore, #tpu.memory_space<semaphore_mem>>
    %dma_start3A_44 = arith.constant 896 : i32
    %dma_start3A_45 = tpu.memref_slice %arg5[%mul3A_1, %dma_start3A_44] : memref<50000x1000xf32, #tpu.memory_space<hbm>> -> memref<1000x104xf32, #tpu.memory_space<hbm>>
    %dma_start3A_46 = arith.constant 0 : i32
    %dma_start3A_47 = arith.constant 0 : i32
    %dma_start3A_48 = tpu.memref_slice %arg7[%rem3A_0, %dma_start3A_46, %dma_start3A_47] : memref<4x1000x104xf32, #tpu.memory_space<vmem>> -> memref<1x1000x104xf32, #tpu.memory_space<vmem>>
    %dma_start3A_49 = tpu.memref_squeeze %dma_start3A_48 : memref<1x1000x104xf32, #tpu.memory_space<vmem>> -> memref<1000x104xf32, #tpu.memory_space<vmem>>
    tpu.enqueue_dma source(%dma_start3A_49 : memref<1000x104xf32, #tpu.memory_space<vmem>>) target(%dma_start3A_45 : memref<1000x104xf32, #tpu.memory_space<hbm>>) target_semaphore(%dma_start3A_43 : memref<!tpu.dma_semaphore, #tpu.memory_space<semaphore_mem>>)
    %eq3A = arith.constant 49 : i32
    %eq3A_50 = arith.cmpi eq, %arg0, %eq3A : i32
    %convert_element_type3A_51 = arith.extui %eq3A_50 : i1 to i32
    %cond3A_52 = arith.constant 0 : i32
    %cond3A_53 = arith.cmpi ne, %convert_element_type3A_51, %cond3A_52 : i32
    scf.if %cond3A_53 {
      %dma_wait3A = arith.constant 0 : i32
      %dma_wait3A_54 = arith.constant 0 : i32
      %dma_wait3A_55 = arith.constant 0 : i32
      %dma_wait3A_56 = tpu.memref_slice %arg8[%dma_wait3A_54, %dma_wait3A_55] : memref<2x4x!tpu.dma_semaphore, #tpu.memory_space<semaphore_mem>> -> memref<1x1x!tpu.dma_semaphore, #tpu.memory_space<semaphore_mem>>
      %dma_wait3A_57 = tpu.memref_squeeze %dma_wait3A_56 : memref<1x1x!tpu.dma_semaphore, #tpu.memory_space<semaphore_mem>> -> memref<!tpu.dma_semaphore, #tpu.memory_space<semaphore_mem>>
      %dma_wait3A_58 = arith.constant 0 : i32
      %dma_wait3A_59 = tpu.memref_slice %arg5[%mul3A_1, %dma_wait3A_58] : memref<50000x1000xf32, #tpu.memory_space<hbm>> -> memref<1000x896xf32, #tpu.memory_space<hbm>>
      %dma_wait3A_60 = arith.constant 0 : i32
      %dma_wait3A_61 = arith.constant 0 : i32
      %dma_wait3A_62 = tpu.memref_slice %arg6[%dma_wait3A, %dma_wait3A_60, %dma_wait3A_61] : memref<4x1000x896xf32, #tpu.memory_space<vmem>> -> memref<1x1000x896xf32, #tpu.memory_space<vmem>>
      %dma_wait3A_63 = tpu.memref_squeeze %dma_wait3A_62 : memref<1x1000x896xf32, #tpu.memory_space<vmem>> -> memref<1000x896xf32, #tpu.memory_space<vmem>>
      tpu.wait_dma2 semaphore(%dma_wait3A_57 : memref<!tpu.dma_semaphore, #tpu.memory_space<semaphore_mem>>) src(%dma_wait3A_63 : memref<1000x896xf32, #tpu.memory_space<vmem>>) dst(%dma_wait3A_59 : memref<1000x896xf32, #tpu.memory_space<hbm>>)
      %dma_wait3A_64 = arith.constant 1 : i32
      %dma_wait3A_65 = arith.constant 0 : i32
      %dma_wait3A_66 = arith.constant 1 : i32
      %dma_wait3A_67 = tpu.memref_slice %arg8[%dma_wait3A_65, %dma_wait3A_66] : memref<2x4x!tpu.dma_semaphore, #tpu.memory_space<semaphore_mem>> -> memref<1x1x!tpu.dma_semaphore, #tpu.memory_space<semaphore_mem>>
      %dma_wait3A_68 = tpu.memref_squeeze %dma_wait3A_67 : memref<1x1x!tpu.dma_semaphore, #tpu.memory_space<semaphore_mem>> -> memref<!tpu.dma_semaphore, #tpu.memory_space<semaphore_mem>>
      %dma_wait3A_69 = arith.constant 0 : i32
      %dma_wait3A_70 = tpu.memref_slice %arg5[%mul3A_1, %dma_wait3A_69] : memref<50000x1000xf32, #tpu.memory_space<hbm>> -> memref<1000x896xf32, #tpu.memory_space<hbm>>
      %dma_wait3A_71 = arith.constant 0 : i32
      %dma_wait3A_72 = arith.constant 0 : i32
      %dma_wait3A_73 = tpu.memref_slice %arg6[%dma_wait3A_64, %dma_wait3A_71, %dma_wait3A_72] : memref<4x1000x896xf32, #tpu.memory_space<vmem>> -> memref<1x1000x896xf32, #tpu.memory_space<vmem>>
      %dma_wait3A_74 = tpu.memref_squeeze %dma_wait3A_73 : memref<1x1000x896xf32, #tpu.memory_space<vmem>> -> memref<1000x896xf32, #tpu.memory_space<vmem>>
      tpu.wait_dma2 semaphore(%dma_wait3A_68 : memref<!tpu.dma_semaphore, #tpu.memory_space<semaphore_mem>>) src(%dma_wait3A_74 : memref<1000x896xf32, #tpu.memory_space<vmem>>) dst(%dma_wait3A_70 : memref<1000x896xf32, #tpu.memory_space<hbm>>)
      %dma_wait3A_75 = arith.constant 2 : i32
      %dma_wait3A_76 = arith.constant 0 : i32
      %dma_wait3A_77 = arith.constant 2 : i32
      %dma_wait3A_78 = tpu.memref_slice %arg8[%dma_wait3A_76, %dma_wait3A_77] : memref<2x4x!tpu.dma_semaphore, #tpu.memory_space<semaphore_mem>> -> memref<1x1x!tpu.dma_semaphore, #tpu.memory_space<semaphore_mem>>
      %dma_wait3A_79 = tpu.memref_squeeze %dma_wait3A_78 : memref<1x1x!tpu.dma_semaphore, #tpu.memory_space<semaphore_mem>> -> memref<!tpu.dma_semaphore, #tpu.memory_space<semaphore_mem>>
      %dma_wait3A_80 = arith.constant 0 : i32
      %dma_wait3A_81 = tpu.memref_slice %arg5[%mul3A_1, %dma_wait3A_80] : memref<50000x1000xf32, #tpu.memory_space<hbm>> -> memref<1000x896xf32, #tpu.memory_space<hbm>>
      %dma_wait3A_82 = arith.constant 0 : i32
      %dma_wait3A_83 = arith.constant 0 : i32
      %dma_wait3A_84 = tpu.memref_slice %arg6[%dma_wait3A_75, %dma_wait3A_82, %dma_wait3A_83] : memref<4x1000x896xf32, #tpu.memory_space<vmem>> -> memref<1x1000x896xf32, #tpu.memory_space<vmem>>
      %dma_wait3A_85 = tpu.memref_squeeze %dma_wait3A_84 : memref<1x1000x896xf32, #tpu.memory_space<vmem>> -> memref<1000x896xf32, #tpu.memory_space<vmem>>
      tpu.wait_dma2 semaphore(%dma_wait3A_79 : memref<!tpu.dma_semaphore, #tpu.memory_space<semaphore_mem>>) src(%dma_wait3A_85 : memref<1000x896xf32, #tpu.memory_space<vmem>>) dst(%dma_wait3A_81 : memref<1000x896xf32, #tpu.memory_space<hbm>>)
      %dma_wait3A_86 = arith.constant 3 : i32
      %dma_wait3A_87 = arith.constant 0 : i32
      %dma_wait3A_88 = arith.constant 3 : i32
      %dma_wait3A_89 = tpu.memref_slice %arg8[%dma_wait3A_87, %dma_wait3A_88] : memref<2x4x!tpu.dma_semaphore, #tpu.memory_space<semaphore_mem>> -> memref<1x1x!tpu.dma_semaphore, #tpu.memory_space<semaphore_mem>>
      %dma_wait3A_90 = tpu.memref_squeeze %dma_wait3A_89 : memref<1x1x!tpu.dma_semaphore, #tpu.memory_space<semaphore_mem>> -> memref<!tpu.dma_semaphore, #tpu.memory_space<semaphore_mem>>
      %dma_wait3A_91 = arith.constant 0 : i32
      %dma_wait3A_92 = tpu.memref_slice %arg5[%mul3A_1, %dma_wait3A_91] : memref<50000x1000xf32, #tpu.memory_space<hbm>> -> memref<1000x896xf32, #tpu.memory_space<hbm>>
      %dma_wait3A_93 = arith.constant 0 : i32
      %dma_wait3A_94 = arith.constant 0 : i32
      %dma_wait3A_95 = tpu.memref_slice %arg6[%dma_wait3A_86, %dma_wait3A_93, %dma_wait3A_94] : memref<4x1000x896xf32, #tpu.memory_space<vmem>> -> memref<1x1000x896xf32, #tpu.memory_space<vmem>>
      %dma_wait3A_96 = tpu.memref_squeeze %dma_wait3A_95 : memref<1x1000x896xf32, #tpu.memory_space<vmem>> -> memref<1000x896xf32, #tpu.memory_space<vmem>>
      tpu.wait_dma2 semaphore(%dma_wait3A_90 : memref<!tpu.dma_semaphore, #tpu.memory_space<semaphore_mem>>) src(%dma_wait3A_96 : memref<1000x896xf32, #tpu.memory_space<vmem>>) dst(%dma_wait3A_92 : memref<1000x896xf32, #tpu.memory_space<hbm>>)
      %dma_wait3A_97 = arith.constant 0 : i32
      %dma_wait3A_98 = arith.constant 1 : i32
      %dma_wait3A_99 = arith.constant 0 : i32
      %dma_wait3A_100 = tpu.memref_slice %arg8[%dma_wait3A_98, %dma_wait3A_99] : memref<2x4x!tpu.dma_semaphore, #tpu.memory_space<semaphore_mem>> -> memref<1x1x!tpu.dma_semaphore, #tpu.memory_space<semaphore_mem>>
      %dma_wait3A_101 = tpu.memref_squeeze %dma_wait3A_100 : memref<1x1x!tpu.dma_semaphore, #tpu.memory_space<semaphore_mem>> -> memref<!tpu.dma_semaphore, #tpu.memory_space<semaphore_mem>>
      %dma_wait3A_102 = arith.constant 896 : i32
      %dma_wait3A_103 = tpu.memref_slice %arg5[%mul3A_1, %dma_wait3A_102] : memref<50000x1000xf32, #tpu.memory_space<hbm>> -> memref<1000x104xf32, #tpu.memory_space<hbm>>
      %dma_wait3A_104 = arith.constant 0 : i32
      %dma_wait3A_105 = arith.constant 0 : i32
      %dma_wait3A_106 = tpu.memref_slice %arg7[%dma_wait3A_97, %dma_wait3A_104, %dma_wait3A_105] : memref<4x1000x104xf32, #tpu.memory_space<vmem>> -> memref<1x1000x104xf32, #tpu.memory_space<vmem>>
      %dma_wait3A_107 = tpu.memref_squeeze %dma_wait3A_106 : memref<1x1000x104xf32, #tpu.memory_space<vmem>> -> memref<1000x104xf32, #tpu.memory_space<vmem>>
      tpu.wait_dma2 semaphore(%dma_wait3A_101 : memref<!tpu.dma_semaphore, #tpu.memory_space<semaphore_mem>>) src(%dma_wait3A_107 : memref<1000x104xf32, #tpu.memory_space<vmem>>) dst(%dma_wait3A_103 : memref<1000x104xf32, #tpu.memory_space<hbm>>)
      %dma_wait3A_108 = arith.constant 1 : i32
      %dma_wait3A_109 = arith.constant 1 : i32
      %dma_wait3A_110 = arith.constant 1 : i32
      %dma_wait3A_111 = tpu.memref_slice %arg8[%dma_wait3A_109, %dma_wait3A_110] : memref<2x4x!tpu.dma_semaphore, #tpu.memory_space<semaphore_mem>> -> memref<1x1x!tpu.dma_semaphore, #tpu.memory_space<semaphore_mem>>
      %dma_wait3A_112 = tpu.memref_squeeze %dma_wait3A_111 : memref<1x1x!tpu.dma_semaphore, #tpu.memory_space<semaphore_mem>> -> memref<!tpu.dma_semaphore, #tpu.memory_space<semaphore_mem>>
      %dma_wait3A_113 = arith.constant 896 : i32
      %dma_wait3A_114 = tpu.memref_slice %arg5[%mul3A_1, %dma_wait3A_113] : memref<50000x1000xf32, #tpu.memory_space<hbm>> -> memref<1000x104xf32, #tpu.memory_space<hbm>>
      %dma_wait3A_115 = arith.constant 0 : i32
      %dma_wait3A_116 = arith.constant 0 : i32
      %dma_wait3A_117 = tpu.memref_slice %arg7[%dma_wait3A_108, %dma_wait3A_115, %dma_wait3A_116] : memref<4x1000x104xf32, #tpu.memory_space<vmem>> -> memref<1x1000x104xf32, #tpu.memory_space<vmem>>
      %dma_wait3A_118 = tpu.memref_squeeze %dma_wait3A_117 : memref<1x1000x104xf32, #tpu.memory_space<vmem>> -> memref<1000x104xf32, #tpu.memory_space<vmem>>
      tpu.wait_dma2 semaphore(%dma_wait3A_112 : memref<!tpu.dma_semaphore, #tpu.memory_space<semaphore_mem>>) src(%dma_wait3A_118 : memref<1000x104xf32, #tpu.memory_space<vmem>>) dst(%dma_wait3A_114 : memref<1000x104xf32, #tpu.memory_space<hbm>>)
      %dma_wait3A_119 = arith.constant 2 : i32
      %dma_wait3A_120 = arith.constant 1 : i32
      %dma_wait3A_121 = arith.constant 2 : i32
      %dma_wait3A_122 = tpu.memref_slice %arg8[%dma_wait3A_120, %dma_wait3A_121] : memref<2x4x!tpu.dma_semaphore, #tpu.memory_space<semaphore_mem>> -> memref<1x1x!tpu.dma_semaphore, #tpu.memory_space<semaphore_mem>>
      %dma_wait3A_123 = tpu.memref_squeeze %dma_wait3A_122 : memref<1x1x!tpu.dma_semaphore, #tpu.memory_space<semaphore_mem>> -> memref<!tpu.dma_semaphore, #tpu.memory_space<semaphore_mem>>
      %dma_wait3A_124 = arith.constant 896 : i32
      %dma_wait3A_125 = tpu.memref_slice %arg5[%mul3A_1, %dma_wait3A_124] : memref<50000x1000xf32, #tpu.memory_space<hbm>> -> memref<1000x104xf32, #tpu.memory_space<hbm>>
      %dma_wait3A_126 = arith.constant 0 : i32
      %dma_wait3A_127 = arith.constant 0 : i32
      %dma_wait3A_128 = tpu.memref_slice %arg7[%dma_wait3A_119, %dma_wait3A_126, %dma_wait3A_127] : memref<4x1000x104xf32, #tpu.memory_space<vmem>> -> memref<1x1000x104xf32, #tpu.memory_space<vmem>>
      %dma_wait3A_129 = tpu.memref_squeeze %dma_wait3A_128 : memref<1x1000x104xf32, #tpu.memory_space<vmem>> -> memref<1000x104xf32, #tpu.memory_space<vmem>>
      tpu.wait_dma2 semaphore(%dma_wait3A_123 : memref<!tpu.dma_semaphore, #tpu.memory_space<semaphore_mem>>) src(%dma_wait3A_129 : memref<1000x104xf32, #tpu.memory_space<vmem>>) dst(%dma_wait3A_125 : memref<1000x104xf32, #tpu.memory_space<hbm>>)
      %dma_wait3A_130 = arith.constant 3 : i32
      %dma_wait3A_131 = arith.constant 1 : i32
      %dma_wait3A_132 = arith.constant 3 : i32
      %dma_wait3A_133 = tpu.memref_slice %arg8[%dma_wait3A_131, %dma_wait3A_132] : memref<2x4x!tpu.dma_semaphore, #tpu.memory_space<semaphore_mem>> -> memref<1x1x!tpu.dma_semaphore, #tpu.memory_space<semaphore_mem>>
      %dma_wait3A_134 = tpu.memref_squeeze %dma_wait3A_133 : memref<1x1x!tpu.dma_semaphore, #tpu.memory_space<semaphore_mem>> -> memref<!tpu.dma_semaphore, #tpu.memory_space<semaphore_mem>>
      %dma_wait3A_135 = arith.constant 896 : i32
      %dma_wait3A_136 = tpu.memref_slice %arg5[%mul3A_1, %dma_wait3A_135] : memref<50000x1000xf32, #tpu.memory_space<hbm>> -> memref<1000x104xf32, #tpu.memory_space<hbm>>
      %dma_wait3A_137 = arith.constant 0 : i32
      %dma_wait3A_138 = arith.constant 0 : i32
      %dma_wait3A_139 = tpu.memref_slice %arg7[%dma_wait3A_130, %dma_wait3A_137, %dma_wait3A_138] : memref<4x1000x104xf32, #tpu.memory_space<vmem>> -> memref<1x1000x104xf32, #tpu.memory_space<vmem>>
      %dma_wait3A_140 = tpu.memref_squeeze %dma_wait3A_139 : memref<1x1000x104xf32, #tpu.memory_space<vmem>> -> memref<1000x104xf32, #tpu.memory_space<vmem>>
      tpu.wait_dma2 semaphore(%dma_wait3A_134 : memref<!tpu.dma_semaphore, #tpu.memory_space<semaphore_mem>>) src(%dma_wait3A_140 : memref<1000x104xf32, #tpu.memory_space<vmem>>) dst(%dma_wait3A_136 : memref<1000x104xf32, #tpu.memory_space<hbm>>)
    } else {
    }
    return
  }
  func.func @transform_0(%arg0: i32) -> (i32, i32) {
    %c0_i32 = arith.constant 0 : i32
    %c0_i32_0 = arith.constant 0 : i32
    return %arg0, %c0_i32 : i32, i32
  }
  func.func @transform_1(%arg0: i32) -> (i32, i32) {
    %c0_i32 = arith.constant 0 : i32
    %c0_i32_0 = arith.constant 0 : i32
    %c0_i32_1 = arith.constant 0 : i32
    return %c0_i32, %c0_i32_0 : i32, i32
  }
  func.func @transform_2(%arg0: i32) -> (i32, i32) {
    %c0_i32 = arith.constant 0 : i32
    %c0_i32_0 = arith.constant 0 : i32
    %c0_i32_1 = arith.constant 0 : i32
    return %c0_i32, %c0_i32_0 : i32, i32
  }
  func.func @transform_3(%arg0: i32) -> (i32, i32) {
    %c0_i32 = arith.constant 0 : i32
    %c0_i32_0 = arith.constant 0 : i32
    %c0_i32_1 = arith.constant 0 : i32
    return %c0_i32, %c0_i32_0 : i32, i32
  }
}

</mosaic_0001>

<sc_bundles>
// kernel: kernel.5.cloned.1.call-start
scs
__scs_entry_jumppad:
0x0: {  	(pc) =	sbr.rel $0x88, $3  }
0x1: {  	(tag) =	ssettag $0x0;
	lr =	simm.s32 $0x1  }
0x2: {  	[smem:$0x3F95] =	sst lr;
	_ =	strace $0xD0000000  }
0x3: {  	_ = 	snop  }
0x4: {  	_ = 	snop  }
0x5: {  	_ = 	snop  }
0x6: {  	_ = 	snop  }
0x7: {  	_ = 	snop  }
__scs_overlays_trampoline_lowered:
0x8: {  	[smem:$0x3FA4] =	sst s0  }
0x9: {  	[smem:$0x3FA5] =	sst s1  }
0xa: {  	[smem:$0x3FA6] =	sst s2  }
0xb: {  	[smem:$0x3FA7] =	sst s3  }
0xc: {  	[smem:$0x3FA8] =	sst s4  }
0xd: {  	[smem:$0x3FA9] =	sst s5  }
0xe: {  	[smem:$0x3FAA] =	sst s6  }
0xf: {  	[smem:$0x3FAB] =	sst s7  }
0x10: {  	[smem:$0x3FAC] =	sst s8  }
0x11: {  	[smem:$0x3FAD] =	sst s9;
	s0 =	simm.s32 @!p0 $0x0  }
0x12: {  	s1 =	sld [smem:$0x3F93];
	s0 =	simm.s32 @p0 $0x1  }
0x13: {  	[smem:$0x3FAE] =	sst s0;
	s0 =	simm.s32 @!p1 $0x0  }
0x14: {  	s2 =	sld [smem:$0x3F92];
	s0 =	simm.s32 @p1 $0x1  }
0x15: {  	[smem:$0x3FAF] =	sst s0;
	s0 =	simm.s32 @!p2 $0x0  }
0x16: {  	s3 =	sld [smem:$0x3FDB];
	s0 =	simm.s32 @p2 $0x1  }
0x17: {  	s4 =	simm.s32 $0x1BF5;
	[smem:$0x3FB1] =	sst s0  }
0x18: {  	s0 =	sld [smem:$0x3F94];
	_ =	swait.ge [sflag:s4], $0x0  }
0x19: {  	s7 =	sld [smem:$0x3F95]  }
0x1a: {  	s8 =	sadd.s32 $0xFFFFE003, lr  }
0x1b: {  	s9 =	sadd.s32 $0xFFFFFEF7, lr;
	s5 =	simm.s32 $0xFFFFFFFF;
	p2 =	slt.u32 s8, $0xFFFFF086  }
0x1c: {  	p1 =	slt.u32 s9, $0xF7A;
	s5 =	simm.s32 @!p2 $0x0  }
0x1d: {  	s5 =	simm.s32 @p1 $0x1;
	p0 =	seq.s32 s7, s2  }
0x1e: {  	s7 =	smul.u32 @!p0 $0xF7A, s2;
	p2 =	seq.s32 @!p0 s5, $0x0  }
0x1f: {  	s9 =	smul.u32 $0xF7A, s1;
	s8 =	simm.s32 @!p0 $0x1BF5;
	p2 =	por !p2, p0  }
0x20: {  	[sflag:s8] =	ssyncset.s32 @!p0 $0xFFFFF086;
	s6 =	sadd.s32 @!p0 s3, s7;
	s7 =	simm.s32 @!p0 $0x108  }
0x21: {  	s3 =	sadd.s32 s3, s9;
	s6 =	sadd.s32 @!p0 $0x88, s6;
	s7 =	simm.s32 @p2 $0x1082  }
0x22: {  	[simem:s7], [sflag:s8] =	dma.local @!p0 [hbm:s6], $0xF7A  }
0x23: {  	s9 =	sor.u32 $0xD0000000, s2;
	s6 =	simm.s32 $0x108;
	_ =	swait.ge @!p0 [sflag:s8], $0x0  }
0x24: {  	s3 =	sadd.s32 $0x88, s3;
	s6 =	simm.s32 @!p1 $0x1082;
	[sflag:s4] =	ssyncset.s32 $0xFFFFF086  }
0x25: {  	[simem:s6], [sflag:s4] =	dma.local [hbm:s3], $0xF7A  }
0x26: {  	[smem:$0x3F95] =	sst s1;
	(tag) =	ssettag s2;
	_ =	strace s9  }
0x27: {  	s1 =	sld [smem:$0x3FA5]  }
0x28: {  	s2 =	sld [smem:$0x3FA6]  }
0x29: {  	s4 =	sld [smem:$0x3FA8]  }
0x2a: {  	p0 =	seq.s32 s5, $0x0;
	s5 =	sld [smem:$0x3FA9]  }
0x2b: {  	s6 =	sld [smem:$0x3FAA]  }
0x2c: {  	s7 =	sld [smem:$0x3FAB]  }
0x2d: {  	s3 =	simm.s32 $0x108;
	s8 =	sld [smem:$0x3FAC]  }
0x2e: {  	s3 =	simm.s32 @!p0 $0x1082;
	s9 =	sld [smem:$0x3FAD]  }
0x2f: {  	lr =	sadd.s32 s0, s3;
	s0 =	sld [smem:$0x3FA4]  }
0x30: {  	s3 =	sld [smem:$0x3FA7]  }
0x31: {  	[smem:$0x3FB0] =	sst s10  }
0x32: {  	s10 =	sld [smem:$0x3FAE];
	_ =	sdelay $0x3  }
0x33: {  	p0 =	seq.s32 s10, $0x1;
	s10 =	sld [smem:$0x3FB0];
	_ =	sdelay $0x3  }
0x34: {  	[smem:$0x3FB0] =	sst s10  }
0x35: {  	s10 =	sld [smem:$0x3FAF];
	_ =	sdelay $0x3  }
0x36: {  	p1 =	seq.s32 s10, $0x1;
	s10 =	sld [smem:$0x3FB0];
	_ =	sdelay $0x3  }
0x37: {  	[smem:$0x3FB0] =	sst s10  }
0x38: {  	s10 =	sld [smem:$0x3FB1]  }
0x39: {  	_ = 	snop;
	(pc) =	sbr.ind lr, $3  }
0x3a: {  	_ = 	snop  }
0x3b: {  	_ = 	snop  }
0x3c: {  	p2 =	seq.s32 s10, $0x1;
	s10 =	sld [smem:$0x3FB0]  }
0x3d: {  	_ =	shalt  }
0x3e: {  	_ =	shalt  }
0x3f: {  	_ =	shalt  }
0x40: {  	_ =	shalt  }
0x41: {  	_ =	shalt  }
0x42: {  	_ =	shalt  }
0x43: {  	_ =	shalt  }
0x44: {  	_ =	shalt  }
0x45: {  	_ =	shalt  }
0x46: {  	_ =	shalt  }
0x47: {  	_ =	shalt  }
0x48: {  	_ =	shalt  }
0x49: {  	_ =	shalt  }
0x4a: {  	_ =	shalt  }
0x4b: {  	_ =	shalt  }
0x4c: {  	_ =	shalt  }
0x4d: {  	_ =	shalt  }
0x4e: {  	_ =	shalt  }
0x4f: {  	_ =	shalt  }
0x50: {  	_ =	shalt  }
0x51: {  	_ =	shalt  }
0x52: {  	_ =	shalt  }
0x53: {  	_ =	shalt  }
0x54: {  	_ =	shalt  }
0x55: {  	_ =	shalt  }
0x56: {  	_ =	shalt  }
0x57: {  	_ =	shalt  }
0x58: {  	_ =	shalt  }
0x59: {  	_ =	shalt  }
0x5a: {  	_ =	shalt  }
0x5b: {  	_ =	shalt  }
0x5c: {  	_ =	shalt  }
0x5d: {  	_ =	shalt  }
0x5e: {  	_ =	shalt  }
0x5f: {  	_ =	shalt  }
0x60: {  	_ =	shalt  }
0x61: {  	_ =	shalt  }
0x62: {  	_ =	shalt  }
0x63: {  	_ =	shalt  }
0x64: {  	_ =	shalt  }
0x65: {  	_ =	shalt  }
0x66: {  	_ =	shalt  }
0x67: {  	_ =	shalt  }
0x68: {  	_ =	shalt  }
0x69: {  	_ =	shalt  }
0x6a: {  	_ =	shalt  }
0x6b: {  	_ =	shalt  }
0x6c: {  	_ =	shalt  }
0x6d: {  	_ =	shalt  }
0x6e: {  	_ =	shalt  }
0x6f: {  	_ =	shalt  }
0x70: {  	_ =	shalt  }
0x71: {  	_ =	shalt  }
0x72: {  	_ =	shalt  }
0x73: {  	_ =	shalt  }
0x74: {  	_ =	shalt  }
0x75: {  	_ =	shalt  }
0x76: {  	_ =	shalt  }
0x77: {  	_ =	shalt  }
0x78: {  	_ =	shalt  }
0x79: {  	_ =	shalt  }
0x7a: {  	_ =	shalt  }
0x7b: {  	_ =	shalt  }
0x7c: {  	_ =	shalt  }
0x7d: {  	_ =	shalt  }
0x7e: {  	_ =	shalt  }
0x7f: {  	_ =	shalt  }
0x80: {  	_ =	shalt  }
0x81: {  	_ =	shalt  }
0x82: {  	_ =	shalt  }
0x83: {  	_ =	shalt  }
0x84: {  	_ =	shalt  }
0x85: {  	_ =	shalt  }
0x86: {  	_ =	shalt  }
0x87: {  	_ =	shalt  }
.Lfunc_end0:
.L_simem_size_0:
called_computation_lowered:
.L_overlay_start_0:
0x88: {  	s2 =	sld [smem:$0x3FD9]  }
0x89: {  	s3 =	sld [smem:$0x3FFE];
	_ =	sdelay $0x1  }
0x8a: {  	s1 =	srdreg.scid  }
0x8b: {  	s0 =	sand.u32 $0x1, s1  }
0x8c: {  	s17 =	sshll.u32 s0, $0xA;
	s2 =	sadd.s32 s3, s2  }
0x8d: {  	s2 =	sadd.s32 s2, s17  }
0x8e: {  	[smem:$0x3FBC] =	sst s2  }
0x8f: {  	_ = 	snop  }
0x90: {  	s2 =	sld [smem:$0x3FD0];
	(tm) =	ssettm $0x1  }
0x91: {  	s18 =	sld [smem:$0x3FFB];
	_ =	sdelay $0x3  }
0x92: {  	_ =	strace s18  }
0x93: {  	s3 =	sld [smem:$0x3FFC];
	_ =	sdelay $0x3  }
0x94: {  	_ =	strace s3  }
0x95: {  	s3 =	sld [smem:$0x3FFD];
	_ =	sdelay $0x3  }
0x96: {  	_ =	strace s3  }
0x97: {  	_ =	strace $0x8FFFFFFF  }
0x98: {  	s19 =	sld [smem:$0x3FDB];
	_ =	sdelay $0x1  }
0x99: {  	s4 =	simm.s32 $_scs_section_size  }
0x9a: {  	s5 =	simm.s32 $_size__tile_overlayer_lowered;
	s6 =	simm.s32 $_tile_overlayer_lowered  }
0x9b: {  	s22 =	simm.s32 $0x1BFF;
	s21 =	sshll.u32 s6, $0x1;
	s3 =	sadd.s32 s4, s19  }
0x9c: {  	s7 =	simm.s32 $0x0;
	s20 =	sshll.u32 s5, $0x1;
	s5 =	sadd.s32 s21, s3  }
0x9d: {  	[timem:s7], [sflag:s22] =	dma.local [hbm:s5], s20  }
0x9e: {  	_ =	swait.ge [sflag:s22], s20  }
0x9f: {  	s4 =	ssub.s32 $0x0, s20;
	[sflag:s22] =	ssyncset.done $0x0  }
0xa0: {  	[sflag:s22] =	ssyncadd.s32 s4;
	_ =	sdelay $0x1  }
0xa1: {  	s23 =	simm.s32 $0x1B8B  }
0xa2: {  	_ =	swait.ge [sflag:s23], $0x1  }
0xa3: {  	[sflag:s23] =	ssyncset.done $0x0  }
0xa4: {  	s25 =	simm.s32 $0x1B8E;
	s24 =	sld [smem:$0x3FFE];
	[sflag:s23] =	ssyncadd.s32 $0xFFFFFFFF  }
0xa5: {  	s26 =	simm.s32 $execute0_lowered;
	[smem:$0x3FD2] =	sst s25  }
0xa6: {  	s5 =	sshll.u32 s26, $0x1;
	_ =	strace $0x80000046;
	[dreg:$0x1] =	wrdreg $0xFFFFFFFF  }
0xa7: {  	s28 =	simm.s32 $_size_execute0_lowered;
	s3 =	sadd.s32 s3, s5;
	[dreg:$0x0] =	wrdreg $0x0  }
0xa8: {  	s5 =	sshll.u32 s28, $0x1;
	[dreg:$0x2] =	wrdreg s3  }
0xa9: {  	[dreg:$0x3] =	wrdreg s5  }
0xaa: {  	[dreg:$0x4] =	wrdreg $0xC0  }
0xab: {  	_ =	task [dreg:s7], $0x5FFFF  }
0xac: {  	[dreg:$0x1] =	wrdreg $0xFFFFFFFF  }
0xad: {  	[dreg:$0x0] =	wrdreg $0x60  }
0xae: {  	[dreg:$0x2] =	wrdreg s24  }
0xaf: {  	[dreg:$0x3] =	wrdreg s2  }
0xb0: {  	[dreg:$0x4] =	wrdreg $0x9  }
0xb1: {  	_ =	task.clear_ibuf [dreg:s7], $0x5FFFF;
	_ =	strace $0x90000046  }
0xb2: {  	s29 =	simm.s32 $0x9;
	_ =	strace $0x80000048  }
0xb3: {  	_ =	swait.ge [sflag:s29], $0x1  }
0xb4: {  	[sflag:s29] =	ssyncadd.s32 $0xFFFFFFFF  }
0xb5: {  	_ =	strace $0x90000048  }
0xb6: {  	_ =	sfence  }
0xb7: {  	s30 =	sld [smem:$0x0];
	_ =	sdelay $0x2  }
0xb8: {  	s31 =	sshll.u32 s1, $0xD;
	s1 =	sshrl.u32 s1, $0x2  }
0xb9: {  	s3 =	sand.u32 $0x4000, s31;
	s1 =	sadd.s32 s1, s30  }
0xba: {  	s0 =	sor.u32 s3, s0;
	s1 =	sshll.u32 s1, $0x11  }
0xbb: {  	s0 =	sor.u32 s1, s0  }
0xbc: {  	s0 =	sadd.s32 $0x8F2B, s0  }
0xbd: {  	[sflag:s0] =	ssyncadd.remote.s32 $0x1  }
0xbe: {  	_ =	sfence.sel $0xFFFF  }
0xbf: {  	[dreg:$0x0] =	wrdreg $0xFFFFFFFF;
	(pc) =	sbr.abs _section_cstart, $3  }
0xc0: {  	[dreg:$0x1] =	wrdreg $0xFFFFFFFF  }
0xc1: {  	_ =	task.clear_ibuf [dreg:s7], $0x2FFFF;
	_ =	strace $0x9FFFFFFF  }
0xc2: {  	(tm) =	ssettm $0x7FFFFFFF  }
0xc3: {  	_ =	shalt  }
tec
execute0_lowered:
.L_overlay_start_1:
0x0: {  	(tag) =	ssettag $0x1  }
0x1: {  	s1 =	srdreg.scid  }
0x2: {  	s0 =	stileid.u32;
	s6 =	sand.u32 $0x1, s1  }
0x3: {  	s5 =	rddreg [dreg:$0x0];
	s30 =	sshll.u32 s0, $0x6;
	s2 =	sshll.u32 s6, $0x5  }
0x4: {  	s9 =	rddreg [dreg:$0x1];
	s7 =	simm.s32 $0x80;
	s10 =	sor.u32 s2, s30  }
0x5: {  	s1 =	rddreg [dreg:$0x2];
	s2 =	simm.s32 $0x0;
	s3 =	sshrl.u32 s10, $0x3  }
0x6: {  	s11 =	ssub.s32 $0x2, s6;
	[smem:$0x7FF] =	sst s2;
	s3 =	sadd.s32 s3, s5  }
0x7: {  	_ =	strace $0x80000047;
	s4 =	sadd.s32 $0x1800, s3;
	s3 =	simm.s32 $0x2  }
0x8: {  	[tilespmem:s2], [sflag:$0x2] =	stream.linear.gather [hbm4b:s4+s2], $0x20, $0x38;
	[tilespmem:$0x1080] =	vst v63  }
0x9: {  	s8 =	simm.s32 $0x1;
	s12 =	sshrl.u32 s11, $0x1;
	_ =	swait.ge [sflag:s3], $0x20  }
0xa: {  	s6 =	simm.s32 $0x20;
	s11 =	ssub.s32 s11, s12;
	[sflag:s3] =	ssyncset.done $0x0  }
0xb: {  	s5 =	sadd.s32 $0x1A00, s5;
	s31 =	smax.u32 s11, $0x1;
	[sflag:s3] =	ssyncadd.s32 $0xFFFFFFE0  }
0xc: {  	[tilespmem:s7], [sflag:$0x1] =	stream.indirect.gather [hbm4b:s5+s6], $0x80, s2, s6, $0xb8;
	[tilespmem:$0x1080] =	vst v63  }
0xd: {  	p0 =	sne.s32 s31, $0x1;
	_ =	swait.ge [sflag:s8], $0x1000  }
.Ltmp0:
0xe: {  	s10 =	sshll.u32 s10, $0x4;
	[sflag:s8] =	ssyncset.done $0x0;
	(pc) =	sbr.rel @!p0 .LBB2_2-.Ltmp0, $4  }
0xf: {  	s9 =	sadd.s32 s9, s10;
	[sflag:s8] =	ssyncadd.s32 $0xFFFFF000  }
0x10: {  	[hbm4b:s9+s2] =	stream.linear.scatter [tilespmem:s7], [sflag:$0x2], $0x1000, $0x38;
	[tilespmem:$0x1080] =	vst v63  }
0x11: {  	_ =	swait.ge [sflag:s3], $0x1000  }
0x12: {  	s10 =	sadd.s32 $0xFFFFFFFF, s31;
	[sflag:s3] =	ssyncset.done $0x0  }
.LBB2_1:
0x13: {  	p0 =	sne.s32 s10, $0x1;
	s10 =	sadd.s32 $0xFFFFFFFF, s10;
	[sflag:s3] =	ssyncadd.s32 $0xFFFFF000  }
0x14: {  	[tilespmem:s2], [sflag:$0x2] =	stream.linear.gather [hbm4b:s4+s2], $0x20, $0x38;
	[tilespmem:$0x1080] =	vst v63  }
0x15: {  	_ =	swait.ge [sflag:s3], $0x20  }
0x16: {  	[sflag:s3] =	ssyncset.done $0x0  }
0x17: {  	[sflag:s3] =	ssyncadd.s32 $0xFFFFFFE0  }
0x18: {  	[tilespmem:s7], [sflag:$0x1] =	stream.indirect.gather [hbm4b:s5+s6], $0x80, s2, s6, $0xb8;
	[tilespmem:$0x1080] =	vst v63  }
0x19: {  	_ =	swait.ge [sflag:s8], $0x1000  }
.Ltmp1:
0x1a: {  	[sflag:s8] =	ssyncset.done $0x0;
	(pc) =	sbr.rel @p0 .LBB2_1-.Ltmp1, $4  }
0x1b: {  	[sflag:s8] =	ssyncadd.s32 $0xFFFFF000  }
0x1c: {  	[hbm4b:s9+s2] =	stream.linear.scatter [tilespmem:s7], [sflag:$0x2], $0x1000, $0x38;
	[tilespmem:$0x1080] =	vst v63  }
0x1d: {  	_ =	swait.ge [sflag:s3], $0x1000  }
0x1e: {  	[sflag:s3] =	ssyncset.done $0x0  }
.LBB2_2:
0x1f: {  	[sflag:s3] =	ssyncadd.s32 $0xFFFFF000  }
0x20: {  	_ =	sfence.sel $0x180000  }
0x21: {  	[bflag:$0x0] =	sbarrier.arrive $0xFFFF  }
0x22: {  	p0 =	sne.s32 s0, $0x0;
	_ =	strace $0x90000047  }
0x23: {  	s0 =	sadd.s32 @!p0 $0x100000, s1;
	[bflag:$0x2] =	sbarrier.arrive $0xFFFF  }
0x24: {  	[sflag:s0] =	ssyncadd.tile.s32 @!p0 $0x1;
	_ =	shalt  }
.Lfunc_end2:
_tile_overlayer_lowered:
.L_overlay_start_2:
0x25: {  	(tag) =	ssettag $0x2  }
0x26: {  	s0 =	rddreg [dreg:$0x0];
	s2 =	stileid.u32  }
0x27: {  	s1 =	rddreg [dreg:$0x1];
	p0 =	sne.s32 s2, $0x0  }
0x28: {  	s3 =	rddreg [dreg:$0x2];
	[bflag:$0x3] =	sbarrier.arrive $0xFFFF;
	s2 =	simm.s32 @!p0 $0x1C02  }
0x29: {  	[timem:s3], [sflag:s2] =	dma.local @!p0 [hbm:s0], s1  }
0x2a: {  	s0 =	simm.s32 @!p0 $0x2  }
0x2b: {  	_ =	swait.ge @!p0 [sflag:s0], s1  }
0x2c: {  	s1 =	ssub.s32 @!p0 $0x0, s1;
	[sflag:s0] =	ssyncset.done @!p0 $0x0  }
0x2d: {  	[sflag:s0] =	ssyncadd.s32 @!p0 s1  }
0x2e: {  	[bflag:$0x3] =	sbarrier.arrive $0xFFFF  }
0x2f: {  	_ =	shalt  }

</sc_bundles>
